<compile_context>
chip_gen: v7x
topology: tpu7x:2x2x1
jax: 0.10.2.dev20260603
libtpu: 0.0.44.dev20260713+nightly
codegen_flags: <defaults>
</compile_context>

<pallas_src>
import functools

import jax
import jax.numpy as jnp
from jax import lax
from jax.experimental import pallas as pl
from jax.experimental.pallas import tpu as pltpu
from jax.experimental.pallas import tpu_sc as plsc

N = 10000
E = 160000
D = 256
H = 128
OUT = 256
NC = 2
NS = 16
NP = 10240
BN = 2000
EPT = E // NS
CHUNK = 128
NCH = 80
EPTP = NCH * CHUNK
SUP = 4
KPB = 2 * SUP
NBODY = NCH // KPB
RPT = NP // NS


def _sc_body(srcp, dstp, hep, hn2, zrows, zhe, agg_out, hea_out,
             src_a, dst_a, he_a, src_b, dst_b, he_b, r0, r1, acc, acc_he,
             g0, g1, s0, s1, ia, ib):
    cid = lax.axis_index("c")
    sid = lax.axis_index("s")
    rows = (r0, r1)
    gsem = (g0, g1)
    ssem = (s0, s1)
    tb_s = (cid * NS + sid) * NCH
    tb_d = sid * NCH

    def load_group(s, sbuf, dbuf, hbuf, sem):
        pltpu.async_copy(srcp.at[pl.ds(tb_s + s * SUP, SUP)], sbuf, sem)
        pltpu.async_copy(dstp.at[pl.ds(tb_d + s * SUP, SUP)], dbuf, sem)
        pltpu.async_copy(hep.at[pl.ds(tb_d + s * SUP, SUP)], hbuf, sem)

    def drain_group(sbuf, dbuf, hbuf, sem):
        pltpu.make_async_copy(srcp.at[pl.ds(0, SUP)], sbuf, sem).wait()
        pltpu.make_async_copy(dstp.at[pl.ds(0, SUP)], dbuf, sem).wait()
        pltpu.make_async_copy(hep.at[pl.ds(0, SUP)], hbuf, sem).wait()

    def wait_gather(q, src_row):
        pltpu.make_async_copy(hn2.at[src_row], rows[q], gsem[q]).wait()

    def wait_scatter(q):
        pltpu.make_async_copy(rows[q], acc.at[dst_a.at[0]], ssem[q]).wait()

    def idx_rows(k):
        if k < SUP:
            return src_a.at[k], dst_a.at[k], he_a.at[k]
        return src_b.at[k - SUP], dst_b.at[k - SUP], he_b.at[k - SUP]

    load_group(0, src_a, dst_a, he_a, ia)
    load_group(1, src_b, dst_b, he_b, ib)
    pltpu.sync_copy(zrows, acc.at[pl.ds(sid * RPT, RPT)])
    pltpu.sync_copy(zhe, acc_he.at[pl.ds(sid * RPT, RPT)])

    drain_group(src_a, dst_a, he_a, ia)
    plsc.subcore_barrier()
    pltpu.async_copy(hn2.at[src_a.at[0]], rows[0], gsem[0])

    def body(p, carry):
        for k in range(KPB):
            q = k % 2
            qn = (q + 1) % 2
            src_row, dst_row, he_row = idx_rows(k)

            wait_gather(q, src_row)
            pltpu.async_copy(rows[q], acc.at[dst_row], ssem[q], add=True)

            if k == 0:
                @pl.when(p > 0)
                def _():
                    wait_scatter(qn)
                    load_group(2 * p + 1, src_b, dst_b, he_b, ib)
            else:
                wait_scatter(qn)

            if k == SUP - 1:
                drain_group(src_b, dst_b, he_b, ib)

            if k == SUP:
                @pl.when(p < NBODY - 1)
                def _():
                    load_group(2 * p + 2, src_a, dst_a, he_a, ia)

            if k < KPB - 1:
                nsrc, _, _ = idx_rows(k + 1)
                pltpu.async_copy(hn2.at[nsrc], rows[qn], gsem[qn])
            else:
                @pl.when(p < NBODY - 1)
                def _():
                    drain_group(src_a, dst_a, he_a, ia)
                    pltpu.async_copy(hn2.at[src_a.at[0]], rows[qn], gsem[qn])

            @pl.when(cid == (k % 2))
            def _():
                pltpu.sync_copy(he_row, acc_he.at[dst_row], add=True)
        return carry

    lax.fori_loop(0, NBODY, body, 0)

    wait_scatter(1)
    plsc.subcore_barrier()

    pltpu.sync_copy(acc.at[pl.ds(sid * RPT, RPT)],
                    agg_out.at[cid, pl.ds(sid * RPT, RPT)])
    pltpu.sync_copy(acc_he.at[pl.ds(sid * RPT, RPT)],
                    hea_out.at[pl.ds(cid * NP + sid * RPT, RPT)])


@functools.lru_cache(maxsize=1)
def _make_sc_call():
    mesh = plsc.VectorSubcoreMesh(
        core_axis_name="c", subcore_axis_name="s",
        num_cores=NC, num_subcores=NS)
    return pl.kernel(
        _sc_body,
        out_type=[
            jax.ShapeDtypeStruct((NC, NP, H), jnp.float32),
            jax.ShapeDtypeStruct((NC * NP,), jnp.float32),
        ],
        mesh=mesh,
        scratch_types=[
            pltpu.VMEM((SUP, CHUNK), jnp.int32),
            pltpu.VMEM((SUP, CHUNK), jnp.int32),
            pltpu.VMEM((SUP, CHUNK), jnp.float32),
            pltpu.VMEM((SUP, CHUNK), jnp.int32),
            pltpu.VMEM((SUP, CHUNK), jnp.int32),
            pltpu.VMEM((SUP, CHUNK), jnp.float32),
            pltpu.VMEM((CHUNK, H), jnp.float32),
            pltpu.VMEM((CHUNK, H), jnp.float32),
            pltpu.VMEM_SHARED((NP, H), jnp.float32),
            pltpu.VMEM_SHARED((NP,), jnp.float32),
            pltpu.SemaphoreType.DMA,
            pltpu.SemaphoreType.DMA,
            pltpu.SemaphoreType.DMA,
            pltpu.SemaphoreType.DMA,
            pltpu.SemaphoreType.DMA,
            pltpu.SemaphoreType.DMA,
        ],
    )


def _tc_body(hn_ref, agg_ref, hea_ref, w1_ref, w2_ref, wb_ref, out_ref):
    x = hn_ref[...]
    acc = jnp.dot(x, w1_ref[...], preferred_element_type=jnp.float32)
    acc += jnp.dot(agg_ref[0], w2_ref[0], preferred_element_type=jnp.float32)
    acc += jnp.dot(agg_ref[1], w2_ref[1], preferred_element_type=jnp.float32)
    hea = hea_ref[:, 0] + hea_ref[:, 1]
    acc += hea[:, None] * wb_ref[0][None, :] + wb_ref[1][None, :]
    out_ref[...] = acc


_tc_call = pl.pallas_call(
    _tc_body,
    grid=(N // BN,),
    in_specs=[
        pl.BlockSpec((BN, D), lambda i: (i, 0)),
        pl.BlockSpec((NC, BN, H), lambda i: (0, i, 0)),
        pl.BlockSpec((BN, NC), lambda i: (i, 0)),
        pl.BlockSpec((D, OUT), lambda i: (0, 0)),
        pl.BlockSpec((NC, H, OUT), lambda i: (0, 0, 0)),
        pl.BlockSpec((NC, OUT), lambda i: (0, 0)),
    ],
    out_specs=pl.BlockSpec((BN, OUT), lambda i: (i, 0)),
    out_shape=jax.ShapeDtypeStruct((N, OUT), jnp.float32),
)


def _pad_chunks(x, pad_value):
    x = x.reshape(NS, EPT)
    x = jnp.pad(x, ((0, 0), (0, EPTP - EPT)), constant_values=pad_value)
    return x.reshape(NS * NCH, CHUNK)


def kernel(hn, he, edge_index, W, b):
    src = edge_index[0].astype(jnp.int32)
    dst = edge_index[1].astype(jnp.int32)
    src_c = _pad_chunks(src, 0)
    srcp = jnp.concatenate([src_c, src_c + N])
    dstp = _pad_chunks(dst, NP - 1)
    hep = _pad_chunks(he[:, 0], 0.0)
    hn2 = jnp.concatenate([hn[:, :H], hn[:, H:]], axis=0)
    zrows = jnp.zeros((RPT, H), jnp.float32)
    zhe = jnp.zeros((RPT,), jnp.float32)

    agg, hea = _make_sc_call()(srcp, dstp, hep, hn2, zrows, zhe)
    hea_t = hea.reshape(NC, NP).T

    w1 = W[:D]
    w2 = jnp.stack([W[D:D + H], W[D + H:2 * D]])
    wb = jnp.stack([W[2 * D], b])

    return _tc_call(hn, agg, hea_t, w1, w2, wb)

# --- scband reference (transcript-rebuilt; emitter-appended) ---
"""Pipeline reference for scband-sageconv-pass-message-76192719831670 (READ-ONLY COPY).

The authoritative reference and input builder live on the scoring server;
editing this copy changes nothing except your own understanding.
"""

import jax, jax.numpy as jnp
import numpy as np

N = 10000
E = 160000
D = 256
OUT = 256

def setup_inputs(seed: int = 0) -> dict:
    key = jax.random.key(seed)
    k1, k2, k3, k4 = jax.random.split(key, 4)
    hn = jax.random.normal(k1, (N, D), dtype=jnp.float32)
    he = jax.random.normal(k2, (E, 1), dtype=jnp.float32)
    edge_index = jax.random.randint(k3, (2, E), 0, N).astype(jnp.int64)
    # Linear(in_feat*2+1, out_feat) parameters
    W = jax.random.normal(k4, (2 * D + 1, OUT), dtype=jnp.float32) * 0.02
    b = jnp.zeros((OUT,), dtype=jnp.float32)
    return {"hn": hn, "he": he, "edge_index": edge_index, "W": W, "b": b}

def reference(hn, he, edge_index, W, b):
    src = edge_index[0]
    dst = edge_index[1]
    n_nodes = hn.shape[0]
    # update_all(copy_u('hn','m'), sum('m','hn_aggr')): gather src node feats, scatter-add to dst
    hn_aggr = jax.ops.segment_sum(jnp.take(hn, src, axis=0), dst, num_segments=n_nodes)
    # update_all(copy_e('he','m'), sum('m','he_aggr')): scatter-add edge feats to dst
    he_aggr = jax.ops.segment_sum(he, dst, num_segments=n_nodes)
    h_total = jnp.concatenate([hn, hn_aggr, he_aggr], axis=1)
    return h_total @ W + b

if __name__ == "__main__":
    import jax
    _d = setup_inputs()
    print(jax.jit(kernel)(*tuple(_d.values())))

</pallas_src>

<mosaic_0001>
#map = affine_map<(d0, d1) -> (0, 0)>
#map1 = affine_map<(d0, d1) -> (0)>
#map2 = affine_map<(d0, d1) -> (0, 0, 0)>
module attributes {stable_mosaic.version = 14 : i64} {
  func.func @_sc_body(%arg0: i32, %arg1: i32, %arg2: memref<2560x128xi32, #tpu.memory_space<hbm>>, %arg3: memref<1280x128xi32, #tpu.memory_space<hbm>>, %arg4: memref<1280x128xf32, #tpu.memory_space<hbm>>, %arg5: memref<20000x128xf32, #tpu.memory_space<hbm>>, %arg6: memref<640x128xf32, #tpu.memory_space<hbm>>, %arg7: memref<640xf32, #tpu.memory_space<hbm>>, %arg8: memref<2x10240x128xf32, #tpu.memory_space<hbm>>, %arg9: memref<20480xf32, #tpu.memory_space<hbm>>, %arg10: memref<4x128xi32, #tpu.memory_space<vmem>>, %arg11: memref<4x128xi32, #tpu.memory_space<vmem>>, %arg12: memref<4x128xf32, #tpu.memory_space<vmem>>, %arg13: memref<4x128xi32, #tpu.memory_space<vmem>>, %arg14: memref<4x128xi32, #tpu.memory_space<vmem>>, %arg15: memref<4x128xf32, #tpu.memory_space<vmem>>, %arg16: memref<128x128xf32, #tpu.memory_space<vmem>>, %arg17: memref<128x128xf32, #tpu.memory_space<vmem>>, %arg18: memref<10240x128xf32, #tpu.memory_space<vmem_shared>>, %arg19: memref<10240xf32, #tpu.memory_space<vmem_shared>>, %arg20: memref<!tpu.dma_semaphore, #tpu.memory_space<semaphore_mem>>, %arg21: memref<!tpu.dma_semaphore, #tpu.memory_space<semaphore_mem>>, %arg22: memref<!tpu.dma_semaphore, #tpu.memory_space<semaphore_mem>>, %arg23: memref<!tpu.dma_semaphore, #tpu.memory_space<semaphore_mem>>, %arg24: memref<!tpu.dma_semaphore, #tpu.memory_space<semaphore_mem>>, %arg25: memref<!tpu.dma_semaphore, #tpu.memory_space<semaphore_mem>>) attributes {dimension_semantics = [#tpu.dimension_semantics<core_parallel>, #tpu.dimension_semantics<subcore_parallel>], iteration_bounds = array<i64: 2, 16>, scalar_prefetch = 0 : i64, scratch_operands = 16 : i64, tpu.core_type = #tpu.core_type<sc_vector_subcore>, window_params = [{transform_indices = #map}, {transform_indices = #map}, {transform_indices = #map}, {transform_indices = #map}, {transform_indices = #map}, {transform_indices = #map1}, {transform_indices = #map2}, {transform_indices = #map1}]} {
    %mul3A = arith.constant 16 : i32
    %mul3A_0 = arith.muli %arg0, %mul3A : i32
    %add3A = arith.addi %mul3A_0, %arg1 : i32
    %mul3A_1 = arith.constant 80 : i32
    %mul3A_2 = arith.muli %add3A, %mul3A_1 : i32
    %mul3A_3 = arith.constant 80 : i32
    %mul3A_4 = arith.muli %arg1, %mul3A_3 : i32
    %add3A_5 = arith.constant 0 : i32
    %add3A_6 = arith.addi %mul3A_2, %add3A_5 : i32
    %dma_start3A = arith.constant 0 : i32
    %dma_start3A_7 = tpu.memref_slice %arg2[%add3A_6, %dma_start3A] : memref<2560x128xi32, #tpu.memory_space<hbm>> -> memref<4x128xi32, #tpu.memory_space<hbm>>
    %dma_start3A_8 = arith.constant 0 : i32
    %dma_start3A_9 = tpu.memref_slice %arg2[%add3A_6, %dma_start3A_8] : memref<2560x128xi32, #tpu.memory_space<hbm>> -> memref<4x128xi32, #tpu.memory_space<hbm>>
    tpu.enqueue_dma source(%dma_start3A_9 : memref<4x128xi32, #tpu.memory_space<hbm>>) target(%arg10 : memref<4x128xi32, #tpu.memory_space<vmem>>) target_semaphore(%arg24 : memref<!tpu.dma_semaphore, #tpu.memory_space<semaphore_mem>>)
    %add3A_10 = arith.constant 0 : i32
    %add3A_11 = arith.addi %mul3A_4, %add3A_10 : i32
    %dma_start3A_12 = arith.constant 0 : i32
    %dma_start3A_13 = tpu.memref_slice %arg3[%add3A_11, %dma_start3A_12] : memref<1280x128xi32, #tpu.memory_space<hbm>> -> memref<4x128xi32, #tpu.memory_space<hbm>>
    %dma_start3A_14 = arith.constant 0 : i32
    %dma_start3A_15 = tpu.memref_slice %arg3[%add3A_11, %dma_start3A_14] : memref<1280x128xi32, #tpu.memory_space<hbm>> -> memref<4x128xi32, #tpu.memory_space<hbm>>
    tpu.enqueue_dma source(%dma_start3A_15 : memref<4x128xi32, #tpu.memory_space<hbm>>) target(%arg11 : memref<4x128xi32, #tpu.memory_space<vmem>>) target_semaphore(%arg24 : memref<!tpu.dma_semaphore, #tpu.memory_space<semaphore_mem>>)
    %add3A_16 = arith.constant 0 : i32
    %add3A_17 = arith.addi %mul3A_4, %add3A_16 : i32
    %dma_start3A_18 = arith.constant 0 : i32
    %dma_start3A_19 = tpu.memref_slice %arg4[%add3A_17, %dma_start3A_18] : memref<1280x128xf32, #tpu.memory_space<hbm>> -> memref<4x128xf32, #tpu.memory_space<hbm>>
    %dma_start3A_20 = arith.constant 0 : i32
    %dma_start3A_21 = tpu.memref_slice %arg4[%add3A_17, %dma_start3A_20] : memref<1280x128xf32, #tpu.memory_space<hbm>> -> memref<4x128xf32, #tpu.memory_space<hbm>>
    tpu.enqueue_dma source(%dma_start3A_21 : memref<4x128xf32, #tpu.memory_space<hbm>>) target(%arg12 : memref<4x128xf32, #tpu.memory_space<vmem>>) target_semaphore(%arg24 : memref<!tpu.dma_semaphore, #tpu.memory_space<semaphore_mem>>)
    %add3A_22 = arith.constant 4 : i32
    %add3A_23 = arith.addi %mul3A_2, %add3A_22 : i32
    %dma_start3A_24 = arith.constant 0 : i32
    %dma_start3A_25 = tpu.memref_slice %arg2[%add3A_23, %dma_start3A_24] : memref<2560x128xi32, #tpu.memory_space<hbm>> -> memref<4x128xi32, #tpu.memory_space<hbm>>
    %dma_start3A_26 = arith.constant 0 : i32
    %dma_start3A_27 = tpu.memref_slice %arg2[%add3A_23, %dma_start3A_26] : memref<2560x128xi32, #tpu.memory_space<hbm>> -> memref<4x128xi32, #tpu.memory_space<hbm>>
    tpu.enqueue_dma source(%dma_start3A_27 : memref<4x128xi32, #tpu.memory_space<hbm>>) target(%arg13 : memref<4x128xi32, #tpu.memory_space<vmem>>) target_semaphore(%arg25 : memref<!tpu.dma_semaphore, #tpu.memory_space<semaphore_mem>>)
    %add3A_28 = arith.constant 4 : i32
    %add3A_29 = arith.addi %mul3A_4, %add3A_28 : i32
    %dma_start3A_30 = arith.constant 0 : i32
    %dma_start3A_31 = tpu.memref_slice %arg3[%add3A_29, %dma_start3A_30] : memref<1280x128xi32, #tpu.memory_space<hbm>> -> memref<4x128xi32, #tpu.memory_space<hbm>>
    %dma_start3A_32 = arith.constant 0 : i32
    %dma_start3A_33 = tpu.memref_slice %arg3[%add3A_29, %dma_start3A_32] : memref<1280x128xi32, #tpu.memory_space<hbm>> -> memref<4x128xi32, #tpu.memory_space<hbm>>
    tpu.enqueue_dma source(%dma_start3A_33 : memref<4x128xi32, #tpu.memory_space<hbm>>) target(%arg14 : memref<4x128xi32, #tpu.memory_space<vmem>>) target_semaphore(%arg25 : memref<!tpu.dma_semaphore, #tpu.memory_space<semaphore_mem>>)
    %add3A_34 = arith.constant 4 : i32
    %add3A_35 = arith.addi %mul3A_4, %add3A_34 : i32
    %dma_start3A_36 = arith.constant 0 : i32
    %dma_start3A_37 = tpu.memref_slice %arg4[%add3A_35, %dma_start3A_36] : memref<1280x128xf32, #tpu.memory_space<hbm>> -> memref<4x128xf32, #tpu.memory_space<hbm>>
    %dma_start3A_38 = arith.constant 0 : i32
    %dma_start3A_39 = tpu.memref_slice %arg4[%add3A_35, %dma_start3A_38] : memref<1280x128xf32, #tpu.memory_space<hbm>> -> memref<4x128xf32, #tpu.memory_space<hbm>>
    tpu.enqueue_dma source(%dma_start3A_39 : memref<4x128xf32, #tpu.memory_space<hbm>>) target(%arg15 : memref<4x128xf32, #tpu.memory_space<vmem>>) target_semaphore(%arg25 : memref<!tpu.dma_semaphore, #tpu.memory_space<semaphore_mem>>)
    %mul3A_40 = arith.constant 640 : i32
    %mul3A_41 = arith.muli %arg1, %mul3A_40 : i32
    "tpu.region"() ({
      %run_scoped3A = tpu.sem_alloc : memref<!tpu.dma_semaphore, #tpu.memory_space<semaphore_mem>>
      %dma_start3A_92 = arith.constant 0 : i32
      %dma_start3A_93 = tpu.memref_slice %arg18[%mul3A_41, %dma_start3A_92] : memref<10240x128xf32, #tpu.memory_space<vmem_shared>> -> memref<640x128xf32, #tpu.memory_space<vmem_shared>>
      tpu.enqueue_dma source(%arg6 : memref<640x128xf32, #tpu.memory_space<hbm>>) target(%dma_start3A_93 : memref<640x128xf32, #tpu.memory_space<vmem_shared>>) target_semaphore(%run_scoped3A : memref<!tpu.dma_semaphore, #tpu.memory_space<semaphore_mem>>)
      %dma_wait3A_94 = arith.constant 0 : i32
      %dma_wait3A_95 = tpu.memref_slice %arg18[%mul3A_41, %dma_wait3A_94] : memref<10240x128xf32, #tpu.memory_space<vmem_shared>> -> memref<640x128xf32, #tpu.memory_space<vmem_shared>>
      tpu.wait_dma2 semaphore(%run_scoped3A : memref<!tpu.dma_semaphore, #tpu.memory_space<semaphore_mem>>) src(%arg6 : memref<640x128xf32, #tpu.memory_space<hbm>>) dst(%dma_wait3A_95 : memref<640x128xf32, #tpu.memory_space<vmem_shared>>)
      tpu.yield
    }) : () -> ()
    %mul3A_42 = arith.constant 640 : i32
    %mul3A_43 = arith.muli %arg1, %mul3A_42 : i32
    "tpu.region"() ({
      %run_scoped3A = tpu.sem_alloc : memref<!tpu.dma_semaphore, #tpu.memory_space<semaphore_mem>>
      %dma_start3A_92 = tpu.memref_slice %arg19[%mul3A_43] : memref<10240xf32, #tpu.memory_space<vmem_shared>> -> memref<640xf32, #tpu.memory_space<vmem_shared>>
      tpu.enqueue_dma source(%arg7 : memref<640xf32, #tpu.memory_space<hbm>>) target(%dma_start3A_92 : memref<640xf32, #tpu.memory_space<vmem_shared>>) target_semaphore(%run_scoped3A : memref<!tpu.dma_semaphore, #tpu.memory_space<semaphore_mem>>)
      %dma_wait3A_93 = tpu.memref_slice %arg19[%mul3A_43] : memref<10240xf32, #tpu.memory_space<vmem_shared>> -> memref<640xf32, #tpu.memory_space<vmem_shared>>
      tpu.wait_dma2 semaphore(%run_scoped3A : memref<!tpu.dma_semaphore, #tpu.memory_space<semaphore_mem>>) src(%arg7 : memref<640xf32, #tpu.memory_space<hbm>>) dst(%dma_wait3A_93 : memref<640xf32, #tpu.memory_space<vmem_shared>>)
      tpu.yield
    }) : () -> ()
    %dma_wait3A = arith.constant 0 : i32
    %dma_wait3A_44 = arith.constant 0 : i32
    %dma_wait3A_45 = tpu.memref_slice %arg2[%dma_wait3A, %dma_wait3A_44] : memref<2560x128xi32, #tpu.memory_space<hbm>> -> memref<4x128xi32, #tpu.memory_space<hbm>>
    %dma_wait3A_46 = arith.constant 0 : i32
    %dma_wait3A_47 = arith.constant 0 : i32
    %dma_wait3A_48 = tpu.memref_slice %arg2[%dma_wait3A_46, %dma_wait3A_47] : memref<2560x128xi32, #tpu.memory_space<hbm>> -> memref<4x128xi32, #tpu.memory_space<hbm>>
    tpu.wait_dma2 semaphore(%arg24 : memref<!tpu.dma_semaphore, #tpu.memory_space<semaphore_mem>>) src(%dma_wait3A_48 : memref<4x128xi32, #tpu.memory_space<hbm>>) dst(%arg10 : memref<4x128xi32, #tpu.memory_space<vmem>>)
    %dma_wait3A_49 = arith.constant 0 : i32
    %dma_wait3A_50 = arith.constant 0 : i32
    %dma_wait3A_51 = tpu.memref_slice %arg3[%dma_wait3A_49, %dma_wait3A_50] : memref<1280x128xi32, #tpu.memory_space<hbm>> -> memref<4x128xi32, #tpu.memory_space<hbm>>
    %dma_wait3A_52 = arith.constant 0 : i32
    %dma_wait3A_53 = arith.constant 0 : i32
    %dma_wait3A_54 = tpu.memref_slice %arg3[%dma_wait3A_52, %dma_wait3A_53] : memref<1280x128xi32, #tpu.memory_space<hbm>> -> memref<4x128xi32, #tpu.memory_space<hbm>>
    tpu.wait_dma2 semaphore(%arg24 : memref<!tpu.dma_semaphore, #tpu.memory_space<semaphore_mem>>) src(%dma_wait3A_54 : memref<4x128xi32, #tpu.memory_space<hbm>>) dst(%arg11 : memref<4x128xi32, #tpu.memory_space<vmem>>)
    %dma_wait3A_55 = arith.constant 0 : i32
    %dma_wait3A_56 = arith.constant 0 : i32
    %dma_wait3A_57 = tpu.memref_slice %arg4[%dma_wait3A_55, %dma_wait3A_56] : memref<1280x128xf32, #tpu.memory_space<hbm>> -> memref<4x128xf32, #tpu.memory_space<hbm>>
    %dma_wait3A_58 = arith.constant 0 : i32
    %dma_wait3A_59 = arith.constant 0 : i32
    %dma_wait3A_60 = tpu.memref_slice %arg4[%dma_wait3A_58, %dma_wait3A_59] : memref<1280x128xf32, #tpu.memory_space<hbm>> -> memref<4x128xf32, #tpu.memory_space<hbm>>
    tpu.wait_dma2 semaphore(%arg24 : memref<!tpu.dma_semaphore, #tpu.memory_space<semaphore_mem>>) src(%dma_wait3A_60 : memref<4x128xf32, #tpu.memory_space<hbm>>) dst(%arg12 : memref<4x128xf32, #tpu.memory_space<vmem>>)
    %barrier3A = arith.constant 0 : index
    tpu.barrier barrier_id(%barrier3A)
    %dma_start3A_61 = arith.constant 0 : i32
    %dma_start3A_62 = arith.constant 0 : i32
    %dma_start3A_63 = tpu.memref_slice %arg10[%dma_start3A_61, %dma_start3A_62] : memref<4x128xi32, #tpu.memory_space<vmem>> -> memref<1x128xi32, #tpu.memory_space<vmem>>
    %dma_start3A_64 = tpu.memref_squeeze %dma_start3A_63 : memref<1x128xi32, #tpu.memory_space<vmem>> -> memref<128xi32, #tpu.memory_space<vmem>>
    %dma_start3A_65 = arith.constant 0 : i32
    %dma_start3A_66 = arith.constant 0 : i32
    %dma_start3A_67 = tpu.memref_slice %arg5[%dma_start3A_65, %dma_start3A_66] : memref<20000x128xf32, #tpu.memory_space<hbm>> -> memref<20000x128xf32, #tpu.memory_space<hbm>>
    tpu.enqueue_indirect_dma source(%dma_start3A_67 : memref<20000x128xf32, #tpu.memory_space<hbm>>) target(%arg16 : memref<128x128xf32, #tpu.memory_space<vmem>>) offsets(%dma_start3A_64 : memref<128xi32, #tpu.memory_space<vmem>>) semaphore(%arg20 : memref<!tpu.dma_semaphore, #tpu.memory_space<semaphore_mem>>)
    %scan3A = arith.constant 0 : i32
    %scan3A_68 = arith.constant 0 : i32
    %scan3A_69 = arith.constant 10 : i32
    %scan3A_70 = arith.addi %scan3A_68, %scan3A_69 : i32
    %scan3A_71 = arith.constant 1 : i32
    scf.for %scan3A_92 = %scan3A_68 to %scan3A_70 step %scan3A_71  : i32 {
      %dma_wait3A_93 = arith.constant 0 : i32
      %dma_wait3A_94 = arith.constant 0 : i32
      %dma_wait3A_95 = tpu.memref_slice %arg10[%dma_wait3A_93, %dma_wait3A_94] : memref<4x128xi32, #tpu.memory_space<vmem>> -> memref<1x128xi32, #tpu.memory_space<vmem>>
      %dma_wait3A_96 = tpu.memref_squeeze %dma_wait3A_95 : memref<1x128xi32, #tpu.memory_space<vmem>> -> memref<128xi32, #tpu.memory_space<vmem>>
      %dma_wait3A_97 = arith.constant 0 : i32
      %dma_wait3A_98 = arith.constant 0 : i32
      %dma_wait3A_99 = tpu.memref_slice %arg5[%dma_wait3A_97, %dma_wait3A_98] : memref<20000x128xf32, #tpu.memory_space<hbm>> -> memref<20000x128xf32, #tpu.memory_space<hbm>>
      tpu.wait_indirect_dma semaphore(%arg20 : memref<!tpu.dma_semaphore, #tpu.memory_space<semaphore_mem>>) src(%dma_wait3A_99 : memref<20000x128xf32, #tpu.memory_space<hbm>>) dst(%arg16 : memref<128x128xf32, #tpu.memory_space<vmem>>)
      %dma_start3A_100 = arith.constant 0 : i32
      %dma_start3A_101 = arith.constant 0 : i32
      %dma_start3A_102 = tpu.memref_slice %arg11[%dma_start3A_100, %dma_start3A_101] : memref<4x128xi32, #tpu.memory_space<vmem>> -> memref<1x128xi32, #tpu.memory_space<vmem>>
      %dma_start3A_103 = tpu.memref_squeeze %dma_start3A_102 : memref<1x128xi32, #tpu.memory_space<vmem>> -> memref<128xi32, #tpu.memory_space<vmem>>
      %dma_start3A_104 = arith.constant 0 : i32
      %dma_start3A_105 = arith.constant 0 : i32
      %dma_start3A_106 = tpu.memref_slice %arg18[%dma_start3A_104, %dma_start3A_105] : memref<10240x128xf32, #tpu.memory_space<vmem_shared>> -> memref<10240x128xf32, #tpu.memory_space<vmem_shared>>
      tpu.enqueue_indirect_dma source(%arg16 : memref<128x128xf32, #tpu.memory_space<vmem>>) target(%dma_start3A_106 : memref<10240x128xf32, #tpu.memory_space<vmem_shared>>) offsets(%dma_start3A_103 : memref<128xi32, #tpu.memory_space<vmem>>) semaphore(%arg22 : memref<!tpu.dma_semaphore, #tpu.memory_space<semaphore_mem>>) {add = true}
      %gt3A = arith.constant 0 : i32
      %gt3A_107 = arith.cmpi sgt, %scan3A_92, %gt3A : i32
      %convert_element_type3A = arith.extui %gt3A_107 : i1 to i32
      %cond3A = arith.constant 0 : i32
      %cond3A_108 = arith.cmpi ne, %convert_element_type3A, %cond3A : i32
      scf.if %cond3A_108 {
        %dma_wait3A_387 = arith.constant 0 : i32
        %dma_wait3A_388 = arith.constant 0 : i32
        %dma_wait3A_389 = tpu.memref_slice %arg11[%dma_wait3A_387, %dma_wait3A_388] : memref<4x128xi32, #tpu.memory_space<vmem>> -> memref<1x128xi32, #tpu.memory_space<vmem>>
        %dma_wait3A_390 = tpu.memref_squeeze %dma_wait3A_389 : memref<1x128xi32, #tpu.memory_space<vmem>> -> memref<128xi32, #tpu.memory_space<vmem>>
        %dma_wait3A_391 = arith.constant 0 : i32
        %dma_wait3A_392 = arith.constant 0 : i32
        %dma_wait3A_393 = tpu.memref_slice %arg18[%dma_wait3A_391, %dma_wait3A_392] : memref<10240x128xf32, #tpu.memory_space<vmem_shared>> -> memref<10240x128xf32, #tpu.memory_space<vmem_shared>>
        tpu.wait_indirect_dma semaphore(%arg23 : memref<!tpu.dma_semaphore, #tpu.memory_space<semaphore_mem>>) src(%arg17 : memref<128x128xf32, #tpu.memory_space<vmem>>) dst(%dma_wait3A_393 : memref<10240x128xf32, #tpu.memory_space<vmem_shared>>)
        %mul3A_394 = arith.constant 2 : i32
        %mul3A_395 = arith.muli %mul3A_394, %scan3A_92 : i32
        %add3A_396 = arith.constant 1 : i32
        %add3A_397 = arith.addi %mul3A_395, %add3A_396 : i32
        %mul3A_398 = arith.constant 4 : i32
        %mul3A_399 = arith.muli %add3A_397, %mul3A_398 : i32
        %add3A_400 = arith.addi %mul3A_2, %mul3A_399 : i32
        %dma_start3A_401 = arith.constant 0 : i32
        %dma_start3A_402 = tpu.memref_slice %arg2[%add3A_400, %dma_start3A_401] : memref<2560x128xi32, #tpu.memory_space<hbm>> -> memref<4x128xi32, #tpu.memory_space<hbm>>
        %dma_start3A_403 = arith.constant 0 : i32
        %dma_start3A_404 = tpu.memref_slice %arg2[%add3A_400, %dma_start3A_403] : memref<2560x128xi32, #tpu.memory_space<hbm>> -> memref<4x128xi32, #tpu.memory_space<hbm>>
        tpu.enqueue_dma source(%dma_start3A_404 : memref<4x128xi32, #tpu.memory_space<hbm>>) target(%arg13 : memref<4x128xi32, #tpu.memory_space<vmem>>) target_semaphore(%arg25 : memref<!tpu.dma_semaphore, #tpu.memory_space<semaphore_mem>>)
        %mul3A_405 = arith.constant 4 : i32
        %mul3A_406 = arith.muli %add3A_397, %mul3A_405 : i32
        %add3A_407 = arith.addi %mul3A_4, %mul3A_406 : i32
        %dma_start3A_408 = arith.constant 0 : i32
        %dma_start3A_409 = tpu.memref_slice %arg3[%add3A_407, %dma_start3A_408] : memref<1280x128xi32, #tpu.memory_space<hbm>> -> memref<4x128xi32, #tpu.memory_space<hbm>>
        %dma_start3A_410 = arith.constant 0 : i32
        %dma_start3A_411 = tpu.memref_slice %arg3[%add3A_407, %dma_start3A_410] : memref<1280x128xi32, #tpu.memory_space<hbm>> -> memref<4x128xi32, #tpu.memory_space<hbm>>
        tpu.enqueue_dma source(%dma_start3A_411 : memref<4x128xi32, #tpu.memory_space<hbm>>) target(%arg14 : memref<4x128xi32, #tpu.memory_space<vmem>>) target_semaphore(%arg25 : memref<!tpu.dma_semaphore, #tpu.memory_space<semaphore_mem>>)
        %mul3A_412 = arith.constant 4 : i32
        %mul3A_413 = arith.muli %add3A_397, %mul3A_412 : i32
        %add3A_414 = arith.addi %mul3A_4, %mul3A_413 : i32
        %dma_start3A_415 = arith.constant 0 : i32
        %dma_start3A_416 = tpu.memref_slice %arg4[%add3A_414, %dma_start3A_415] : memref<1280x128xf32, #tpu.memory_space<hbm>> -> memref<4x128xf32, #tpu.memory_space<hbm>>
        %dma_start3A_417 = arith.constant 0 : i32
        %dma_start3A_418 = tpu.memref_slice %arg4[%add3A_414, %dma_start3A_417] : memref<1280x128xf32, #tpu.memory_space<hbm>> -> memref<4x128xf32, #tpu.memory_space<hbm>>
        tpu.enqueue_dma source(%dma_start3A_418 : memref<4x128xf32, #tpu.memory_space<hbm>>) target(%arg15 : memref<4x128xf32, #tpu.memory_space<vmem>>) target_semaphore(%arg25 : memref<!tpu.dma_semaphore, #tpu.memory_space<semaphore_mem>>)
      } else {
      }
      %dma_start3A_109 = arith.constant 1 : i32
      %dma_start3A_110 = arith.constant 0 : i32
      %dma_start3A_111 = tpu.memref_slice %arg10[%dma_start3A_109, %dma_start3A_110] : memref<4x128xi32, #tpu.memory_space<vmem>> -> memref<1x128xi32, #tpu.memory_space<vmem>>
      %dma_start3A_112 = tpu.memref_squeeze %dma_start3A_111 : memref<1x128xi32, #tpu.memory_space<vmem>> -> memref<128xi32, #tpu.memory_space<vmem>>
      %dma_start3A_113 = arith.constant 0 : i32
      %dma_start3A_114 = arith.constant 0 : i32
      %dma_start3A_115 = tpu.memref_slice %arg5[%dma_start3A_113, %dma_start3A_114] : memref<20000x128xf32, #tpu.memory_space<hbm>> -> memref<20000x128xf32, #tpu.memory_space<hbm>>
      tpu.enqueue_indirect_dma source(%dma_start3A_115 : memref<20000x128xf32, #tpu.memory_space<hbm>>) target(%arg17 : memref<128x128xf32, #tpu.memory_space<vmem>>) offsets(%dma_start3A_112 : memref<128xi32, #tpu.memory_space<vmem>>) semaphore(%arg21 : memref<!tpu.dma_semaphore, #tpu.memory_space<semaphore_mem>>)
      %eq3A = arith.constant 0 : i32
      %eq3A_116 = arith.cmpi eq, %arg0, %eq3A : i32
      %convert_element_type3A_117 = arith.extui %eq3A_116 : i1 to i32
      %cond3A_118 = arith.constant 0 : i32
      %cond3A_119 = arith.constant 0 : i32
      %cond3A_120 = arith.constant 0 : i32
      %cond3A_121 = arith.cmpi ne, %convert_element_type3A_117, %cond3A_120 : i32
      scf.if %cond3A_121 {
        "tpu.region"() ({
          %run_scoped3A = tpu.sem_alloc : memref<!tpu.dma_semaphore, #tpu.memory_space<semaphore_mem>>
          %dma_start3A_387 = arith.constant 0 : i32
          %dma_start3A_388 = tpu.memref_slice %arg12[%cond3A_118, %dma_start3A_387] : memref<4x128xf32, #tpu.memory_space<vmem>> -> memref<1x128xf32, #tpu.memory_space<vmem>>
          %dma_start3A_389 = tpu.memref_squeeze %dma_start3A_388 : memref<1x128xf32, #tpu.memory_space<vmem>> -> memref<128xf32, #tpu.memory_space<vmem>>
          %dma_start3A_390 = arith.constant 0 : i32
          %dma_start3A_391 = tpu.memref_slice %arg11[%cond3A_119, %dma_start3A_390] : memref<4x128xi32, #tpu.memory_space<vmem>> -> memref<1x128xi32, #tpu.memory_space<vmem>>
          %dma_start3A_392 = tpu.memref_squeeze %dma_start3A_391 : memref<1x128xi32, #tpu.memory_space<vmem>> -> memref<128xi32, #tpu.memory_space<vmem>>
          %dma_start3A_393 = arith.constant 0 : i32
          %dma_start3A_394 = tpu.memref_slice %arg19[%dma_start3A_393] : memref<10240xf32, #tpu.memory_space<vmem_shared>> -> memref<10240xf32, #tpu.memory_space<vmem_shared>>
          tpu.enqueue_indirect_dma source(%dma_start3A_389 : memref<128xf32, #tpu.memory_space<vmem>>) target(%dma_start3A_394 : memref<10240xf32, #tpu.memory_space<vmem_shared>>) offsets(%dma_start3A_392 : memref<128xi32, #tpu.memory_space<vmem>>) semaphore(%run_scoped3A : memref<!tpu.dma_semaphore, #tpu.memory_space<semaphore_mem>>) {add = true}
          %dma_wait3A_395 = arith.constant 0 : i32
          %dma_wait3A_396 = tpu.memref_slice %arg12[%cond3A_118, %dma_wait3A_395] : memref<4x128xf32, #tpu.memory_space<vmem>> -> memref<1x128xf32, #tpu.memory_space<vmem>>
          %dma_wait3A_397 = tpu.memref_squeeze %dma_wait3A_396 : memref<1x128xf32, #tpu.memory_space<vmem>> -> memref<128xf32, #tpu.memory_space<vmem>>
          %dma_wait3A_398 = arith.constant 0 : i32
          %dma_wait3A_399 = tpu.memref_slice %arg11[%cond3A_119, %dma_wait3A_398] : memref<4x128xi32, #tpu.memory_space<vmem>> -> memref<1x128xi32, #tpu.memory_space<vmem>>
          %dma_wait3A_400 = tpu.memref_squeeze %dma_wait3A_399 : memref<1x128xi32, #tpu.memory_space<vmem>> -> memref<128xi32, #tpu.memory_space<vmem>>
          %dma_wait3A_401 = arith.constant 0 : i32
          %dma_wait3A_402 = tpu.memref_slice %arg19[%dma_wait3A_401] : memref<10240xf32, #tpu.memory_space<vmem_shared>> -> memref<10240xf32, #tpu.memory_space<vmem_shared>>
          tpu.wait_indirect_dma semaphore(%run_scoped3A : memref<!tpu.dma_semaphore, #tpu.memory_space<semaphore_mem>>) src(%dma_wait3A_397 : memref<128xf32, #tpu.memory_space<vmem>>) dst(%dma_wait3A_402 : memref<10240xf32, #tpu.memory_space<vmem_shared>>)
          tpu.yield
        }) : () -> ()
      } else {
      }
      %dma_wait3A_122 = arith.constant 1 : i32
      %dma_wait3A_123 = arith.constant 0 : i32
      %dma_wait3A_124 = tpu.memref_slice %arg10[%dma_wait3A_122, %dma_wait3A_123] : memref<4x128xi32, #tpu.memory_space<vmem>> -> memref<1x128xi32, #tpu.memory_space<vmem>>
      %dma_wait3A_125 = tpu.memref_squeeze %dma_wait3A_124 : memref<1x128xi32, #tpu.memory_space<vmem>> -> memref<128xi32, #tpu.memory_space<vmem>>
      %dma_wait3A_126 = arith.constant 0 : i32
      %dma_wait3A_127 = arith.constant 0 : i32
      %dma_wait3A_128 = tpu.memref_slice %arg5[%dma_wait3A_126, %dma_wait3A_127] : memref<20000x128xf32, #tpu.memory_space<hbm>> -> memref<20000x128xf32, #tpu.memory_space<hbm>>
      tpu.wait_indirect_dma semaphore(%arg21 : memref<!tpu.dma_semaphore, #tpu.memory_space<semaphore_mem>>) src(%dma_wait3A_128 : memref<20000x128xf32, #tpu.memory_space<hbm>>) dst(%arg17 : memref<128x128xf32, #tpu.memory_space<vmem>>)
      %dma_start3A_129 = arith.constant 1 : i32
      %dma_start3A_130 = arith.constant 0 : i32
      %dma_start3A_131 = tpu.memref_slice %arg11[%dma_start3A_129, %dma_start3A_130] : memref<4x128xi32, #tpu.memory_space<vmem>> -> memref<1x128xi32, #tpu.memory_space<vmem>>
      %dma_start3A_132 = tpu.memref_squeeze %dma_start3A_131 : memref<1x128xi32, #tpu.memory_space<vmem>> -> memref<128xi32, #tpu.memory_space<vmem>>
      %dma_start3A_133 = arith.constant 0 : i32
      %dma_start3A_134 = arith.constant 0 : i32
      %dma_start3A_135 = tpu.memref_slice %arg18[%dma_start3A_133, %dma_start3A_134] : memref<10240x128xf32, #tpu.memory_space<vmem_shared>> -> memref<10240x128xf32, #tpu.memory_space<vmem_shared>>
      tpu.enqueue_indirect_dma source(%arg17 : memref<128x128xf32, #tpu.memory_space<vmem>>) target(%dma_start3A_135 : memref<10240x128xf32, #tpu.memory_space<vmem_shared>>) offsets(%dma_start3A_132 : memref<128xi32, #tpu.memory_space<vmem>>) semaphore(%arg23 : memref<!tpu.dma_semaphore, #tpu.memory_space<semaphore_mem>>) {add = true}
      %dma_wait3A_136 = arith.constant 0 : i32
      %dma_wait3A_137 = arith.constant 0 : i32
      %dma_wait3A_138 = tpu.memref_slice %arg11[%dma_wait3A_136, %dma_wait3A_137] : memref<4x128xi32, #tpu.memory_space<vmem>> -> memref<1x128xi32, #tpu.memory_space<vmem>>
      %dma_wait3A_139 = tpu.memref_squeeze %dma_wait3A_138 : memref<1x128xi32, #tpu.memory_space<vmem>> -> memref<128xi32, #tpu.memory_space<vmem>>
      %dma_wait3A_140 = arith.constant 0 : i32
      %dma_wait3A_141 = arith.constant 0 : i32
      %dma_wait3A_142 = tpu.memref_slice %arg18[%dma_wait3A_140, %dma_wait3A_141] : memref<10240x128xf32, #tpu.memory_space<vmem_shared>> -> memref<10240x128xf32, #tpu.memory_space<vmem_shared>>
      tpu.wait_indirect_dma semaphore(%arg22 : memref<!tpu.dma_semaphore, #tpu.memory_space<semaphore_mem>>) src(%arg16 : memref<128x128xf32, #tpu.memory_space<vmem>>) dst(%dma_wait3A_142 : memref<10240x128xf32, #tpu.memory_space<vmem_shared>>)
      %dma_start3A_143 = arith.constant 2 : i32
      %dma_start3A_144 = arith.constant 0 : i32
      %dma_start3A_145 = tpu.memref_slice %arg10[%dma_start3A_143, %dma_start3A_144] : memref<4x128xi32, #tpu.memory_space<vmem>> -> memref<1x128xi32, #tpu.memory_space<vmem>>
      %dma_start3A_146 = tpu.memref_squeeze %dma_start3A_145 : memref<1x128xi32, #tpu.memory_space<vmem>> -> memref<128xi32, #tpu.memory_space<vmem>>
      %dma_start3A_147 = arith.constant 0 : i32
      %dma_start3A_148 = arith.constant 0 : i32
      %dma_start3A_149 = tpu.memref_slice %arg5[%dma_start3A_147, %dma_start3A_148] : memref<20000x128xf32, #tpu.memory_space<hbm>> -> memref<20000x128xf32, #tpu.memory_space<hbm>>
      tpu.enqueue_indirect_dma source(%dma_start3A_149 : memref<20000x128xf32, #tpu.memory_space<hbm>>) target(%arg16 : memref<128x128xf32, #tpu.memory_space<vmem>>) offsets(%dma_start3A_146 : memref<128xi32, #tpu.memory_space<vmem>>) semaphore(%arg20 : memref<!tpu.dma_semaphore, #tpu.memory_space<semaphore_mem>>)
      %eq3A_150 = arith.constant 1 : i32
      %eq3A_151 = arith.cmpi eq, %arg0, %eq3A_150 : i32
      %convert_element_type3A_152 = arith.extui %eq3A_151 : i1 to i32
      %cond3A_153 = arith.constant 1 : i32
      %cond3A_154 = arith.constant 1 : i32
      %cond3A_155 = arith.constant 0 : i32
      %cond3A_156 = arith.cmpi ne, %convert_element_type3A_152, %cond3A_155 : i32
      scf.if %cond3A_156 {
        "tpu.region"() ({
          %run_scoped3A = tpu.sem_alloc : memref<!tpu.dma_semaphore, #tpu.memory_space<semaphore_mem>>
          %dma_start3A_387 = arith.constant 0 : i32
          %dma_start3A_388 = tpu.memref_slice %arg12[%cond3A_153, %dma_start3A_387] : memref<4x128xf32, #tpu.memory_space<vmem>> -> memref<1x128xf32, #tpu.memory_space<vmem>>
          %dma_start3A_389 = tpu.memref_squeeze %dma_start3A_388 : memref<1x128xf32, #tpu.memory_space<vmem>> -> memref<128xf32, #tpu.memory_space<vmem>>
          %dma_start3A_390 = arith.constant 0 : i32
          %dma_start3A_391 = tpu.memref_slice %arg11[%cond3A_154, %dma_start3A_390] : memref<4x128xi32, #tpu.memory_space<vmem>> -> memref<1x128xi32, #tpu.memory_space<vmem>>
          %dma_start3A_392 = tpu.memref_squeeze %dma_start3A_391 : memref<1x128xi32, #tpu.memory_space<vmem>> -> memref<128xi32, #tpu.memory_space<vmem>>
          %dma_start3A_393 = arith.constant 0 : i32
          %dma_start3A_394 = tpu.memref_slice %arg19[%dma_start3A_393] : memref<10240xf32, #tpu.memory_space<vmem_shared>> -> memref<10240xf32, #tpu.memory_space<vmem_shared>>
          tpu.enqueue_indirect_dma source(%dma_start3A_389 : memref<128xf32, #tpu.memory_space<vmem>>) target(%dma_start3A_394 : memref<10240xf32, #tpu.memory_space<vmem_shared>>) offsets(%dma_start3A_392 : memref<128xi32, #tpu.memory_space<vmem>>) semaphore(%run_scoped3A : memref<!tpu.dma_semaphore, #tpu.memory_space<semaphore_mem>>) {add = true}
          %dma_wait3A_395 = arith.constant 0 : i32
          %dma_wait3A_396 = tpu.memref_slice %arg12[%cond3A_153, %dma_wait3A_395] : memref<4x128xf32, #tpu.memory_space<vmem>> -> memref<1x128xf32, #tpu.memory_space<vmem>>
          %dma_wait3A_397 = tpu.memref_squeeze %dma_wait3A_396 : memref<1x128xf32, #tpu.memory_space<vmem>> -> memref<128xf32, #tpu.memory_space<vmem>>
          %dma_wait3A_398 = arith.constant 0 : i32
          %dma_wait3A_399 = tpu.memref_slice %arg11[%cond3A_154, %dma_wait3A_398] : memref<4x128xi32, #tpu.memory_space<vmem>> -> memref<1x128xi32, #tpu.memory_space<vmem>>
          %dma_wait3A_400 = tpu.memref_squeeze %dma_wait3A_399 : memref<1x128xi32, #tpu.memory_space<vmem>> -> memref<128xi32, #tpu.memory_space<vmem>>
          %dma_wait3A_401 = arith.constant 0 : i32
          %dma_wait3A_402 = tpu.memref_slice %arg19[%dma_wait3A_401] : memref<10240xf32, #tpu.memory_space<vmem_shared>> -> memref<10240xf32, #tpu.memory_space<vmem_shared>>
          tpu.wait_indirect_dma semaphore(%run_scoped3A : memref<!tpu.dma_semaphore, #tpu.memory_space<semaphore_mem>>) src(%dma_wait3A_397 : memref<128xf32, #tpu.memory_space<vmem>>) dst(%dma_wait3A_402 : memref<10240xf32, #tpu.memory_space<vmem_shared>>)
          tpu.yield
        }) : () -> ()
      } else {
      }
      %dma_wait3A_157 = arith.constant 2 : i32
      %dma_wait3A_158 = arith.constant 0 : i32
      %dma_wait3A_159 = tpu.memref_slice %arg10[%dma_wait3A_157, %dma_wait3A_158] : memref<4x128xi32, #tpu.memory_space<vmem>> -> memref<1x128xi32, #tpu.memory_space<vmem>>
      %dma_wait3A_160 = tpu.memref_squeeze %dma_wait3A_159 : memref<1x128xi32, #tpu.memory_space<vmem>> -> memref<128xi32, #tpu.memory_space<vmem>>
      %dma_wait3A_161 = arith.constant 0 : i32
      %dma_wait3A_162 = arith.constant 0 : i32
      %dma_wait3A_163 = tpu.memref_slice %arg5[%dma_wait3A_161, %dma_wait3A_162] : memref<20000x128xf32, #tpu.memory_space<hbm>> -> memref<20000x128xf32, #tpu.memory_space<hbm>>
      tpu.wait_indirect_dma semaphore(%arg20 : memref<!tpu.dma_semaphore, #tpu.memory_space<semaphore_mem>>) src(%dma_wait3A_163 : memref<20000x128xf32, #tpu.memory_space<hbm>>) dst(%arg16 : memref<128x128xf32, #tpu.memory_space<vmem>>)
      %dma_start3A_164 = arith.constant 2 : i32
      %dma_start3A_165 = arith.constant 0 : i32
      %dma_start3A_166 = tpu.memref_slice %arg11[%dma_start3A_164, %dma_start3A_165] : memref<4x128xi32, #tpu.memory_space<vmem>> -> memref<1x128xi32, #tpu.memory_space<vmem>>
      %dma_start3A_167 = tpu.memref_squeeze %dma_start3A_166 : memref<1x128xi32, #tpu.memory_space<vmem>> -> memref<128xi32, #tpu.memory_space<vmem>>
      %dma_start3A_168 = arith.constant 0 : i32
      %dma_start3A_169 = arith.constant 0 : i32
      %dma_start3A_170 = tpu.memref_slice %arg18[%dma_start3A_168, %dma_start3A_169] : memref<10240x128xf32, #tpu.memory_space<vmem_shared>> -> memref<10240x128xf32, #tpu.memory_space<vmem_shared>>
      tpu.enqueue_indirect_dma source(%arg16 : memref<128x128xf32, #tpu.memory_space<vmem>>) target(%dma_start3A_170 : memref<10240x128xf32, #tpu.memory_space<vmem_shared>>) offsets(%dma_start3A_167 : memref<128xi32, #tpu.memory_space<vmem>>) semaphore(%arg22 : memref<!tpu.dma_semaphore, #tpu.memory_space<semaphore_mem>>) {add = true}
      %dma_wait3A_171 = arith.constant 0 : i32
      %dma_wait3A_172 = arith.constant 0 : i32
      %dma_wait3A_173 = tpu.memref_slice %arg11[%dma_wait3A_171, %dma_wait3A_172] : memref<4x128xi32, #tpu.memory_space<vmem>> -> memref<1x128xi32, #tpu.memory_space<vmem>>
      %dma_wait3A_174 = tpu.memref_squeeze %dma_wait3A_173 : memref<1x128xi32, #tpu.memory_space<vmem>> -> memref<128xi32, #tpu.memory_space<vmem>>
      %dma_wait3A_175 = arith.constant 0 : i32
      %dma_wait3A_176 = arith.constant 0 : i32
      %dma_wait3A_177 = tpu.memref_slice %arg18[%dma_wait3A_175, %dma_wait3A_176] : memref<10240x128xf32, #tpu.memory_space<vmem_shared>> -> memref<10240x128xf32, #tpu.memory_space<vmem_shared>>
      tpu.wait_indirect_dma semaphore(%arg23 : memref<!tpu.dma_semaphore, #tpu.memory_space<semaphore_mem>>) src(%arg17 : memref<128x128xf32, #tpu.memory_space<vmem>>) dst(%dma_wait3A_177 : memref<10240x128xf32, #tpu.memory_space<vmem_shared>>)
      %dma_start3A_178 = arith.constant 3 : i32
      %dma_start3A_179 = arith.constant 0 : i32
      %dma_start3A_180 = tpu.memref_slice %arg10[%dma_start3A_178, %dma_start3A_179] : memref<4x128xi32, #tpu.memory_space<vmem>> -> memref<1x128xi32, #tpu.memory_space<vmem>>
      %dma_start3A_181 = tpu.memref_squeeze %dma_start3A_180 : memref<1x128xi32, #tpu.memory_space<vmem>> -> memref<128xi32, #tpu.memory_space<vmem>>
      %dma_start3A_182 = arith.constant 0 : i32
      %dma_start3A_183 = arith.constant 0 : i32
      %dma_start3A_184 = tpu.memref_slice %arg5[%dma_start3A_182, %dma_start3A_183] : memref<20000x128xf32, #tpu.memory_space<hbm>> -> memref<20000x128xf32, #tpu.memory_space<hbm>>
      tpu.enqueue_indirect_dma source(%dma_start3A_184 : memref<20000x128xf32, #tpu.memory_space<hbm>>) target(%arg17 : memref<128x128xf32, #tpu.memory_space<vmem>>) offsets(%dma_start3A_181 : memref<128xi32, #tpu.memory_space<vmem>>) semaphore(%arg21 : memref<!tpu.dma_semaphore, #tpu.memory_space<semaphore_mem>>)
      %eq3A_185 = arith.constant 0 : i32
      %eq3A_186 = arith.cmpi eq, %arg0, %eq3A_185 : i32
      %convert_element_type3A_187 = arith.extui %eq3A_186 : i1 to i32
      %cond3A_188 = arith.constant 2 : i32
      %cond3A_189 = arith.constant 2 : i32
      %cond3A_190 = arith.constant 0 : i32
      %cond3A_191 = arith.cmpi ne, %convert_element_type3A_187, %cond3A_190 : i32
      scf.if %cond3A_191 {
        "tpu.region"() ({
          %run_scoped3A = tpu.sem_alloc : memref<!tpu.dma_semaphore, #tpu.memory_space<semaphore_mem>>
          %dma_start3A_387 = arith.constant 0 : i32
          %dma_start3A_388 = tpu.memref_slice %arg12[%cond3A_188, %dma_start3A_387] : memref<4x128xf32, #tpu.memory_space<vmem>> -> memref<1x128xf32, #tpu.memory_space<vmem>>
          %dma_start3A_389 = tpu.memref_squeeze %dma_start3A_388 : memref<1x128xf32, #tpu.memory_space<vmem>> -> memref<128xf32, #tpu.memory_space<vmem>>
          %dma_start3A_390 = arith.constant 0 : i32
          %dma_start3A_391 = tpu.memref_slice %arg11[%cond3A_189, %dma_start3A_390] : memref<4x128xi32, #tpu.memory_space<vmem>> -> memref<1x128xi32, #tpu.memory_space<vmem>>
          %dma_start3A_392 = tpu.memref_squeeze %dma_start3A_391 : memref<1x128xi32, #tpu.memory_space<vmem>> -> memref<128xi32, #tpu.memory_space<vmem>>
          %dma_start3A_393 = arith.constant 0 : i32
          %dma_start3A_394 = tpu.memref_slice %arg19[%dma_start3A_393] : memref<10240xf32, #tpu.memory_space<vmem_shared>> -> memref<10240xf32, #tpu.memory_space<vmem_shared>>
          tpu.enqueue_indirect_dma source(%dma_start3A_389 : memref<128xf32, #tpu.memory_space<vmem>>) target(%dma_start3A_394 : memref<10240xf32, #tpu.memory_space<vmem_shared>>) offsets(%dma_start3A_392 : memref<128xi32, #tpu.memory_space<vmem>>) semaphore(%run_scoped3A : memref<!tpu.dma_semaphore, #tpu.memory_space<semaphore_mem>>) {add = true}
          %dma_wait3A_395 = arith.constant 0 : i32
          %dma_wait3A_396 = tpu.memref_slice %arg12[%cond3A_188, %dma_wait3A_395] : memref<4x128xf32, #tpu.memory_space<vmem>> -> memref<1x128xf32, #tpu.memory_space<vmem>>
          %dma_wait3A_397 = tpu.memref_squeeze %dma_wait3A_396 : memref<1x128xf32, #tpu.memory_space<vmem>> -> memref<128xf32, #tpu.memory_space<vmem>>
          %dma_wait3A_398 = arith.constant 0 : i32
          %dma_wait3A_399 = tpu.memref_slice %arg11[%cond3A_189, %dma_wait3A_398] : memref<4x128xi32, #tpu.memory_space<vmem>> -> memref<1x128xi32, #tpu.memory_space<vmem>>
          %dma_wait3A_400 = tpu.memref_squeeze %dma_wait3A_399 : memref<1x128xi32, #tpu.memory_space<vmem>> -> memref<128xi32, #tpu.memory_space<vmem>>
          %dma_wait3A_401 = arith.constant 0 : i32
          %dma_wait3A_402 = tpu.memref_slice %arg19[%dma_wait3A_401] : memref<10240xf32, #tpu.memory_space<vmem_shared>> -> memref<10240xf32, #tpu.memory_space<vmem_shared>>
          tpu.wait_indirect_dma semaphore(%run_scoped3A : memref<!tpu.dma_semaphore, #tpu.memory_space<semaphore_mem>>) src(%dma_wait3A_397 : memref<128xf32, #tpu.memory_space<vmem>>) dst(%dma_wait3A_402 : memref<10240xf32, #tpu.memory_space<vmem_shared>>)
          tpu.yield
        }) : () -> ()
      } else {
      }
      %dma_wait3A_192 = arith.constant 3 : i32
      %dma_wait3A_193 = arith.constant 0 : i32
      %dma_wait3A_194 = tpu.memref_slice %arg10[%dma_wait3A_192, %dma_wait3A_193] : memref<4x128xi32, #tpu.memory_space<vmem>> -> memref<1x128xi32, #tpu.memory_space<vmem>>
      %dma_wait3A_195 = tpu.memref_squeeze %dma_wait3A_194 : memref<1x128xi32, #tpu.memory_space<vmem>> -> memref<128xi32, #tpu.memory_space<vmem>>
      %dma_wait3A_196 = arith.constant 0 : i32
      %dma_wait3A_197 = arith.constant 0 : i32
      %dma_wait3A_198 = tpu.memref_slice %arg5[%dma_wait3A_196, %dma_wait3A_197] : memref<20000x128xf32, #tpu.memory_space<hbm>> -> memref<20000x128xf32, #tpu.memory_space<hbm>>
      tpu.wait_indirect_dma semaphore(%arg21 : memref<!tpu.dma_semaphore, #tpu.memory_space<semaphore_mem>>) src(%dma_wait3A_198 : memref<20000x128xf32, #tpu.memory_space<hbm>>) dst(%arg17 : memref<128x128xf32, #tpu.memory_space<vmem>>)
      %dma_start3A_199 = arith.constant 3 : i32
      %dma_start3A_200 = arith.constant 0 : i32
      %dma_start3A_201 = tpu.memref_slice %arg11[%dma_start3A_199, %dma_start3A_200] : memref<4x128xi32, #tpu.memory_space<vmem>> -> memref<1x128xi32, #tpu.memory_space<vmem>>
      %dma_start3A_202 = tpu.memref_squeeze %dma_start3A_201 : memref<1x128xi32, #tpu.memory_space<vmem>> -> memref<128xi32, #tpu.memory_space<vmem>>
      %dma_start3A_203 = arith.constant 0 : i32
      %dma_start3A_204 = arith.constant 0 : i32
      %dma_start3A_205 = tpu.memref_slice %arg18[%dma_start3A_203, %dma_start3A_204] : memref<10240x128xf32, #tpu.memory_space<vmem_shared>> -> memref<10240x128xf32, #tpu.memory_space<vmem_shared>>
      tpu.enqueue_indirect_dma source(%arg17 : memref<128x128xf32, #tpu.memory_space<vmem>>) target(%dma_start3A_205 : memref<10240x128xf32, #tpu.memory_space<vmem_shared>>) offsets(%dma_start3A_202 : memref<128xi32, #tpu.memory_space<vmem>>) semaphore(%arg23 : memref<!tpu.dma_semaphore, #tpu.memory_space<semaphore_mem>>) {add = true}
      %dma_wait3A_206 = arith.constant 0 : i32
      %dma_wait3A_207 = arith.constant 0 : i32
      %dma_wait3A_208 = tpu.memref_slice %arg11[%dma_wait3A_206, %dma_wait3A_207] : memref<4x128xi32, #tpu.memory_space<vmem>> -> memref<1x128xi32, #tpu.memory_space<vmem>>
      %dma_wait3A_209 = tpu.memref_squeeze %dma_wait3A_208 : memref<1x128xi32, #tpu.memory_space<vmem>> -> memref<128xi32, #tpu.memory_space<vmem>>
      %dma_wait3A_210 = arith.constant 0 : i32
      %dma_wait3A_211 = arith.constant 0 : i32
      %dma_wait3A_212 = tpu.memref_slice %arg18[%dma_wait3A_210, %dma_wait3A_211] : memref<10240x128xf32, #tpu.memory_space<vmem_shared>> -> memref<10240x128xf32, #tpu.memory_space<vmem_shared>>
      tpu.wait_indirect_dma semaphore(%arg22 : memref<!tpu.dma_semaphore, #tpu.memory_space<semaphore_mem>>) src(%arg16 : memref<128x128xf32, #tpu.memory_space<vmem>>) dst(%dma_wait3A_212 : memref<10240x128xf32, #tpu.memory_space<vmem_shared>>)
      %dma_wait3A_213 = arith.constant 0 : i32
      %dma_wait3A_214 = arith.constant 0 : i32
      %dma_wait3A_215 = tpu.memref_slice %arg2[%dma_wait3A_213, %dma_wait3A_214] : memref<2560x128xi32, #tpu.memory_space<hbm>> -> memref<4x128xi32, #tpu.memory_space<hbm>>
      %dma_wait3A_216 = arith.constant 0 : i32
      %dma_wait3A_217 = arith.constant 0 : i32
      %dma_wait3A_218 = tpu.memref_slice %arg2[%dma_wait3A_216, %dma_wait3A_217] : memref<2560x128xi32, #tpu.memory_space<hbm>> -> memref<4x128xi32, #tpu.memory_space<hbm>>
      tpu.wait_dma2 semaphore(%arg25 : memref<!tpu.dma_semaphore, #tpu.memory_space<semaphore_mem>>) src(%dma_wait3A_218 : memref<4x128xi32, #tpu.memory_space<hbm>>) dst(%arg13 : memref<4x128xi32, #tpu.memory_space<vmem>>)
      %dma_wait3A_219 = arith.constant 0 : i32
      %dma_wait3A_220 = arith.constant 0 : i32
      %dma_wait3A_221 = tpu.memref_slice %arg3[%dma_wait3A_219, %dma_wait3A_220] : memref<1280x128xi32, #tpu.memory_space<hbm>> -> memref<4x128xi32, #tpu.memory_space<hbm>>
      %dma_wait3A_222 = arith.constant 0 : i32
      %dma_wait3A_223 = arith.constant 0 : i32
      %dma_wait3A_224 = tpu.memref_slice %arg3[%dma_wait3A_222, %dma_wait3A_223] : memref<1280x128xi32, #tpu.memory_space<hbm>> -> memref<4x128xi32, #tpu.memory_space<hbm>>
      tpu.wait_dma2 semaphore(%arg25 : memref<!tpu.dma_semaphore, #tpu.memory_space<semaphore_mem>>) src(%dma_wait3A_224 : memref<4x128xi32, #tpu.memory_space<hbm>>) dst(%arg14 : memref<4x128xi32, #tpu.memory_space<vmem>>)
      %dma_wait3A_225 = arith.constant 0 : i32
      %dma_wait3A_226 = arith.constant 0 : i32
      %dma_wait3A_227 = tpu.memref_slice %arg4[%dma_wait3A_225, %dma_wait3A_226] : memref<1280x128xf32, #tpu.memory_space<hbm>> -> memref<4x128xf32, #tpu.memory_space<hbm>>
      %dma_wait3A_228 = arith.constant 0 : i32
      %dma_wait3A_229 = arith.constant 0 : i32
      %dma_wait3A_230 = tpu.memref_slice %arg4[%dma_wait3A_228, %dma_wait3A_229] : memref<1280x128xf32, #tpu.memory_space<hbm>> -> memref<4x128xf32, #tpu.memory_space<hbm>>
      tpu.wait_dma2 semaphore(%arg25 : memref<!tpu.dma_semaphore, #tpu.memory_space<semaphore_mem>>) src(%dma_wait3A_230 : memref<4x128xf32, #tpu.memory_space<hbm>>) dst(%arg15 : memref<4x128xf32, #tpu.memory_space<vmem>>)
      %dma_start3A_231 = arith.constant 0 : i32
      %dma_start3A_232 = arith.constant 0 : i32
      %dma_start3A_233 = tpu.memref_slice %arg13[%dma_start3A_231, %dma_start3A_232] : memref<4x128xi32, #tpu.memory_space<vmem>> -> memref<1x128xi32, #tpu.memory_space<vmem>>
      %dma_start3A_234 = tpu.memref_squeeze %dma_start3A_233 : memref<1x128xi32, #tpu.memory_space<vmem>> -> memref<128xi32, #tpu.memory_space<vmem>>
      %dma_start3A_235 = arith.constant 0 : i32
      %dma_start3A_236 = arith.constant 0 : i32
      %dma_start3A_237 = tpu.memref_slice %arg5[%dma_start3A_235, %dma_start3A_236] : memref<20000x128xf32, #tpu.memory_space<hbm>> -> memref<20000x128xf32, #tpu.memory_space<hbm>>
      tpu.enqueue_indirect_dma source(%dma_start3A_237 : memref<20000x128xf32, #tpu.memory_space<hbm>>) target(%arg16 : memref<128x128xf32, #tpu.memory_space<vmem>>) offsets(%dma_start3A_234 : memref<128xi32, #tpu.memory_space<vmem>>) semaphore(%arg20 : memref<!tpu.dma_semaphore, #tpu.memory_space<semaphore_mem>>)
      %eq3A_238 = arith.constant 1 : i32
      %eq3A_239 = arith.cmpi eq, %arg0, %eq3A_238 : i32
      %convert_element_type3A_240 = arith.extui %eq3A_239 : i1 to i32
      %cond3A_241 = arith.constant 3 : i32
      %cond3A_242 = arith.constant 3 : i32
      %cond3A_243 = arith.constant 0 : i32
      %cond3A_244 = arith.cmpi ne, %convert_element_type3A_240, %cond3A_243 : i32
      scf.if %cond3A_244 {
        "tpu.region"() ({
          %run_scoped3A = tpu.sem_alloc : memref<!tpu.dma_semaphore, #tpu.memory_space<semaphore_mem>>
          %dma_start3A_387 = arith.constant 0 : i32
          %dma_start3A_388 = tpu.memref_slice %arg12[%cond3A_241, %dma_start3A_387] : memref<4x128xf32, #tpu.memory_space<vmem>> -> memref<1x128xf32, #tpu.memory_space<vmem>>
          %dma_start3A_389 = tpu.memref_squeeze %dma_start3A_388 : memref<1x128xf32, #tpu.memory_space<vmem>> -> memref<128xf32, #tpu.memory_space<vmem>>
          %dma_start3A_390 = arith.constant 0 : i32
          %dma_start3A_391 = tpu.memref_slice %arg11[%cond3A_242, %dma_start3A_390] : memref<4x128xi32, #tpu.memory_space<vmem>> -> memref<1x128xi32, #tpu.memory_space<vmem>>
          %dma_start3A_392 = tpu.memref_squeeze %dma_start3A_391 : memref<1x128xi32, #tpu.memory_space<vmem>> -> memref<128xi32, #tpu.memory_space<vmem>>
          %dma_start3A_393 = arith.constant 0 : i32
          %dma_start3A_394 = tpu.memref_slice %arg19[%dma_start3A_393] : memref<10240xf32, #tpu.memory_space<vmem_shared>> -> memref<10240xf32, #tpu.memory_space<vmem_shared>>
          tpu.enqueue_indirect_dma source(%dma_start3A_389 : memref<128xf32, #tpu.memory_space<vmem>>) target(%dma_start3A_394 : memref<10240xf32, #tpu.memory_space<vmem_shared>>) offsets(%dma_start3A_392 : memref<128xi32, #tpu.memory_space<vmem>>) semaphore(%run_scoped3A : memref<!tpu.dma_semaphore, #tpu.memory_space<semaphore_mem>>) {add = true}
          %dma_wait3A_395 = arith.constant 0 : i32
          %dma_wait3A_396 = tpu.memref_slice %arg12[%cond3A_241, %dma_wait3A_395] : memref<4x128xf32, #tpu.memory_space<vmem>> -> memref<1x128xf32, #tpu.memory_space<vmem>>
          %dma_wait3A_397 = tpu.memref_squeeze %dma_wait3A_396 : memref<1x128xf32, #tpu.memory_space<vmem>> -> memref<128xf32, #tpu.memory_space<vmem>>
          %dma_wait3A_398 = arith.constant 0 : i32
          %dma_wait3A_399 = tpu.memref_slice %arg11[%cond3A_242, %dma_wait3A_398] : memref<4x128xi32, #tpu.memory_space<vmem>> -> memref<1x128xi32, #tpu.memory_space<vmem>>
          %dma_wait3A_400 = tpu.memref_squeeze %dma_wait3A_399 : memref<1x128xi32, #tpu.memory_space<vmem>> -> memref<128xi32, #tpu.memory_space<vmem>>
          %dma_wait3A_401 = arith.constant 0 : i32
          %dma_wait3A_402 = tpu.memref_slice %arg19[%dma_wait3A_401] : memref<10240xf32, #tpu.memory_space<vmem_shared>> -> memref<10240xf32, #tpu.memory_space<vmem_shared>>
          tpu.wait_indirect_dma semaphore(%run_scoped3A : memref<!tpu.dma_semaphore, #tpu.memory_space<semaphore_mem>>) src(%dma_wait3A_397 : memref<128xf32, #tpu.memory_space<vmem>>) dst(%dma_wait3A_402 : memref<10240xf32, #tpu.memory_space<vmem_shared>>)
          tpu.yield
        }) : () -> ()
      } else {
      }
      %dma_wait3A_245 = arith.constant 0 : i32
      %dma_wait3A_246 = arith.constant 0 : i32
      %dma_wait3A_247 = tpu.memref_slice %arg13[%dma_wait3A_245, %dma_wait3A_246] : memref<4x128xi32, #tpu.memory_space<vmem>> -> memref<1x128xi32, #tpu.memory_space<vmem>>
      %dma_wait3A_248 = tpu.memref_squeeze %dma_wait3A_247 : memref<1x128xi32, #tpu.memory_space<vmem>> -> memref<128xi32, #tpu.memory_space<vmem>>
      %dma_wait3A_249 = arith.constant 0 : i32
      %dma_wait3A_250 = arith.constant 0 : i32
      %dma_wait3A_251 = tpu.memref_slice %arg5[%dma_wait3A_249, %dma_wait3A_250] : memref<20000x128xf32, #tpu.memory_space<hbm>> -> memref<20000x128xf32, #tpu.memory_space<hbm>>
      tpu.wait_indirect_dma semaphore(%arg20 : memref<!tpu.dma_semaphore, #tpu.memory_space<semaphore_mem>>) src(%dma_wait3A_251 : memref<20000x128xf32, #tpu.memory_space<hbm>>) dst(%arg16 : memref<128x128xf32, #tpu.memory_space<vmem>>)
      %dma_start3A_252 = arith.constant 0 : i32
      %dma_start3A_253 = arith.constant 0 : i32
      %dma_start3A_254 = tpu.memref_slice %arg14[%dma_start3A_252, %dma_start3A_253] : memref<4x128xi32, #tpu.memory_space<vmem>> -> memref<1x128xi32, #tpu.memory_space<vmem>>
      %dma_start3A_255 = tpu.memref_squeeze %dma_start3A_254 : memref<1x128xi32, #tpu.memory_space<vmem>> -> memref<128xi32, #tpu.memory_space<vmem>>
      %dma_start3A_256 = arith.constant 0 : i32
      %dma_start3A_257 = arith.constant 0 : i32
      %dma_start3A_258 = tpu.memref_slice %arg18[%dma_start3A_256, %dma_start3A_257] : memref<10240x128xf32, #tpu.memory_space<vmem_shared>> -> memref<10240x128xf32, #tpu.memory_space<vmem_shared>>
      tpu.enqueue_indirect_dma source(%arg16 : memref<128x128xf32, #tpu.memory_space<vmem>>) target(%dma_start3A_258 : memref<10240x128xf32, #tpu.memory_space<vmem_shared>>) offsets(%dma_start3A_255 : memref<128xi32, #tpu.memory_space<vmem>>) semaphore(%arg22 : memref<!tpu.dma_semaphore, #tpu.memory_space<semaphore_mem>>) {add = true}
      %dma_wait3A_259 = arith.constant 0 : i32
      %dma_wait3A_260 = arith.constant 0 : i32
      %dma_wait3A_261 = tpu.memref_slice %arg11[%dma_wait3A_259, %dma_wait3A_260] : memref<4x128xi32, #tpu.memory_space<vmem>> -> memref<1x128xi32, #tpu.memory_space<vmem>>
      %dma_wait3A_262 = tpu.memref_squeeze %dma_wait3A_261 : memref<1x128xi32, #tpu.memory_space<vmem>> -> memref<128xi32, #tpu.memory_space<vmem>>
      %dma_wait3A_263 = arith.constant 0 : i32
      %dma_wait3A_264 = arith.constant 0 : i32
      %dma_wait3A_265 = tpu.memref_slice %arg18[%dma_wait3A_263, %dma_wait3A_264] : memref<10240x128xf32, #tpu.memory_space<vmem_shared>> -> memref<10240x128xf32, #tpu.memory_space<vmem_shared>>
      tpu.wait_indirect_dma semaphore(%arg23 : memref<!tpu.dma_semaphore, #tpu.memory_space<semaphore_mem>>) src(%arg17 : memref<128x128xf32, #tpu.memory_space<vmem>>) dst(%dma_wait3A_265 : memref<10240x128xf32, #tpu.memory_space<vmem_shared>>)
      %lt3A = arith.constant 9 : i32
      %lt3A_266 = arith.cmpi slt, %scan3A_92, %lt3A : i32
      %convert_element_type3A_267 = arith.extui %lt3A_266 : i1 to i32
      %cond3A_268 = arith.constant 0 : i32
      %cond3A_269 = arith.cmpi ne, %convert_element_type3A_267, %cond3A_268 : i32
      scf.if %cond3A_269 {
        %mul3A_387 = arith.constant 2 : i32
        %mul3A_388 = arith.muli %mul3A_387, %scan3A_92 : i32
        %add3A_389 = arith.constant 2 : i32
        %add3A_390 = arith.addi %mul3A_388, %add3A_389 : i32
        %mul3A_391 = arith.constant 4 : i32
        %mul3A_392 = arith.muli %add3A_390, %mul3A_391 : i32
        %add3A_393 = arith.addi %mul3A_2, %mul3A_392 : i32
        %dma_start3A_394 = arith.constant 0 : i32
        %dma_start3A_395 = tpu.memref_slice %arg2[%add3A_393, %dma_start3A_394] : memref<2560x128xi32, #tpu.memory_space<hbm>> -> memref<4x128xi32, #tpu.memory_space<hbm>>
        %dma_start3A_396 = arith.constant 0 : i32
        %dma_start3A_397 = tpu.memref_slice %arg2[%add3A_393, %dma_start3A_396] : memref<2560x128xi32, #tpu.memory_space<hbm>> -> memref<4x128xi32, #tpu.memory_space<hbm>>
        tpu.enqueue_dma source(%dma_start3A_397 : memref<4x128xi32, #tpu.memory_space<hbm>>) target(%arg10 : memref<4x128xi32, #tpu.memory_space<vmem>>) target_semaphore(%arg24 : memref<!tpu.dma_semaphore, #tpu.memory_space<semaphore_mem>>)
        %mul3A_398 = arith.constant 4 : i32
        %mul3A_399 = arith.muli %add3A_390, %mul3A_398 : i32
        %add3A_400 = arith.addi %mul3A_4, %mul3A_399 : i32
        %dma_start3A_401 = arith.constant 0 : i32
        %dma_start3A_402 = tpu.memref_slice %arg3[%add3A_400, %dma_start3A_401] : memref<1280x128xi32, #tpu.memory_space<hbm>> -> memref<4x128xi32, #tpu.memory_space<hbm>>
        %dma_start3A_403 = arith.constant 0 : i32
        %dma_start3A_404 = tpu.memref_slice %arg3[%add3A_400, %dma_start3A_403] : memref<1280x128xi32, #tpu.memory_space<hbm>> -> memref<4x128xi32, #tpu.memory_space<hbm>>
        tpu.enqueue_dma source(%dma_start3A_404 : memref<4x128xi32, #tpu.memory_space<hbm>>) target(%arg11 : memref<4x128xi32, #tpu.memory_space<vmem>>) target_semaphore(%arg24 : memref<!tpu.dma_semaphore, #tpu.memory_space<semaphore_mem>>)
        %mul3A_405 = arith.constant 4 : i32
        %mul3A_406 = arith.muli %add3A_390, %mul3A_405 : i32
        %add3A_407 = arith.addi %mul3A_4, %mul3A_406 : i32
        %dma_start3A_408 = arith.constant 0 : i32
        %dma_start3A_409 = tpu.memref_slice %arg4[%add3A_407, %dma_start3A_408] : memref<1280x128xf32, #tpu.memory_space<hbm>> -> memref<4x128xf32, #tpu.memory_space<hbm>>
        %dma_start3A_410 = arith.constant 0 : i32
        %dma_start3A_411 = tpu.memref_slice %arg4[%add3A_407, %dma_start3A_410] : memref<1280x128xf32, #tpu.memory_space<hbm>> -> memref<4x128xf32, #tpu.memory_space<hbm>>
        tpu.enqueue_dma source(%dma_start3A_411 : memref<4x128xf32, #tpu.memory_space<hbm>>) target(%arg12 : memref<4x128xf32, #tpu.memory_space<vmem>>) target_semaphore(%arg24 : memref<!tpu.dma_semaphore, #tpu.memory_space<semaphore_mem>>)
      } else {
      }
      %dma_start3A_270 = arith.constant 1 : i32
      %dma_start3A_271 = arith.constant 0 : i32
      %dma_start3A_272 = tpu.memref_slice %arg13[%dma_start3A_270, %dma_start3A_271] : memref<4x128xi32, #tpu.memory_space<vmem>> -> memref<1x128xi32, #tpu.memory_space<vmem>>
      %dma_start3A_273 = tpu.memref_squeeze %dma_start3A_272 : memref<1x128xi32, #tpu.memory_space<vmem>> -> memref<128xi32, #tpu.memory_space<vmem>>
      %dma_start3A_274 = arith.constant 0 : i32
      %dma_start3A_275 = arith.constant 0 : i32
      %dma_start3A_276 = tpu.memref_slice %arg5[%dma_start3A_274, %dma_start3A_275] : memref<20000x128xf32, #tpu.memory_space<hbm>> -> memref<20000x128xf32, #tpu.memory_space<hbm>>
      tpu.enqueue_indirect_dma source(%dma_start3A_276 : memref<20000x128xf32, #tpu.memory_space<hbm>>) target(%arg17 : memref<128x128xf32, #tpu.memory_space<vmem>>) offsets(%dma_start3A_273 : memref<128xi32, #tpu.memory_space<vmem>>) semaphore(%arg21 : memref<!tpu.dma_semaphore, #tpu.memory_space<semaphore_mem>>)
      %eq3A_277 = arith.constant 0 : i32
      %eq3A_278 = arith.cmpi eq, %arg0, %eq3A_277 : i32
      %convert_element_type3A_279 = arith.extui %eq3A_278 : i1 to i32
      %cond3A_280 = arith.constant 0 : i32
      %cond3A_281 = arith.constant 0 : i32
      %cond3A_282 = arith.constant 0 : i32
      %cond3A_283 = arith.cmpi ne, %convert_element_type3A_279, %cond3A_282 : i32
      scf.if %cond3A_283 {
        "tpu.region"() ({
          %run_scoped3A = tpu.sem_alloc : memref<!tpu.dma_semaphore, #tpu.memory_space<semaphore_mem>>
          %dma_start3A_387 = arith.constant 0 : i32
          %dma_start3A_388 = tpu.memref_slice %arg15[%cond3A_280, %dma_start3A_387] : memref<4x128xf32, #tpu.memory_space<vmem>> -> memref<1x128xf32, #tpu.memory_space<vmem>>
          %dma_start3A_389 = tpu.memref_squeeze %dma_start3A_388 : memref<1x128xf32, #tpu.memory_space<vmem>> -> memref<128xf32, #tpu.memory_space<vmem>>
          %dma_start3A_390 = arith.constant 0 : i32
          %dma_start3A_391 = tpu.memref_slice %arg14[%cond3A_281, %dma_start3A_390] : memref<4x128xi32, #tpu.memory_space<vmem>> -> memref<1x128xi32, #tpu.memory_space<vmem>>
          %dma_start3A_392 = tpu.memref_squeeze %dma_start3A_391 : memref<1x128xi32, #tpu.memory_space<vmem>> -> memref<128xi32, #tpu.memory_space<vmem>>
          %dma_start3A_393 = arith.constant 0 : i32
          %dma_start3A_394 = tpu.memref_slice %arg19[%dma_start3A_393] : memref<10240xf32, #tpu.memory_space<vmem_shared>> -> memref<10240xf32, #tpu.memory_space<vmem_shared>>
          tpu.enqueue_indirect_dma source(%dma_start3A_389 : memref<128xf32, #tpu.memory_space<vmem>>) target(%dma_start3A_394 : memref<10240xf32, #tpu.memory_space<vmem_shared>>) offsets(%dma_start3A_392 : memref<128xi32, #tpu.memory_space<vmem>>) semaphore(%run_scoped3A : memref<!tpu.dma_semaphore, #tpu.memory_space<semaphore_mem>>) {add = true}
          %dma_wait3A_395 = arith.constant 0 : i32
          %dma_wait3A_396 = tpu.memref_slice %arg15[%cond3A_280, %dma_wait3A_395] : memref<4x128xf32, #tpu.memory_space<vmem>> -> memref<1x128xf32, #tpu.memory_space<vmem>>
          %dma_wait3A_397 = tpu.memref_squeeze %dma_wait3A_396 : memref<1x128xf32, #tpu.memory_space<vmem>> -> memref<128xf32, #tpu.memory_space<vmem>>
          %dma_wait3A_398 = arith.constant 0 : i32
          %dma_wait3A_399 = tpu.memref_slice %arg14[%cond3A_281, %dma_wait3A_398] : memref<4x128xi32, #tpu.memory_space<vmem>> -> memref<1x128xi32, #tpu.memory_space<vmem>>
          %dma_wait3A_400 = tpu.memref_squeeze %dma_wait3A_399 : memref<1x128xi32, #tpu.memory_space<vmem>> -> memref<128xi32, #tpu.memory_space<vmem>>
          %dma_wait3A_401 = arith.constant 0 : i32
          %dma_wait3A_402 = tpu.memref_slice %arg19[%dma_wait3A_401] : memref<10240xf32, #tpu.memory_space<vmem_shared>> -> memref<10240xf32, #tpu.memory_space<vmem_shared>>
          tpu.wait_indirect_dma semaphore(%run_scoped3A : memref<!tpu.dma_semaphore, #tpu.memory_space<semaphore_mem>>) src(%dma_wait3A_397 : memref<128xf32, #tpu.memory_space<vmem>>) dst(%dma_wait3A_402 : memref<10240xf32, #tpu.memory_space<vmem_shared>>)
          tpu.yield
        }) : () -> ()
      } else {
      }
      %dma_wait3A_284 = arith.constant 1 : i32
      %dma_wait3A_285 = arith.constant 0 : i32
      %dma_wait3A_286 = tpu.memref_slice %arg13[%dma_wait3A_284, %dma_wait3A_285] : memref<4x128xi32, #tpu.memory_space<vmem>> -> memref<1x128xi32, #tpu.memory_space<vmem>>
      %dma_wait3A_287 = tpu.memref_squeeze %dma_wait3A_286 : memref<1x128xi32, #tpu.memory_space<vmem>> -> memref<128xi32, #tpu.memory_space<vmem>>
      %dma_wait3A_288 = arith.constant 0 : i32
      %dma_wait3A_289 = arith.constant 0 : i32
      %dma_wait3A_290 = tpu.memref_slice %arg5[%dma_wait3A_288, %dma_wait3A_289] : memref<20000x128xf32, #tpu.memory_space<hbm>> -> memref<20000x128xf32, #tpu.memory_space<hbm>>
      tpu.wait_indirect_dma semaphore(%arg21 : memref<!tpu.dma_semaphore, #tpu.memory_space<semaphore_mem>>) src(%dma_wait3A_290 : memref<20000x128xf32, #tpu.memory_space<hbm>>) dst(%arg17 : memref<128x128xf32, #tpu.memory_space<vmem>>)
      %dma_start3A_291 = arith.constant 1 : i32
      %dma_start3A_292 = arith.constant 0 : i32
      %dma_start3A_293 = tpu.memref_slice %arg14[%dma_start3A_291, %dma_start3A_292] : memref<4x128xi32, #tpu.memory_space<vmem>> -> memref<1x128xi32, #tpu.memory_space<vmem>>
      %dma_start3A_294 = tpu.memref_squeeze %dma_start3A_293 : memref<1x128xi32, #tpu.memory_space<vmem>> -> memref<128xi32, #tpu.memory_space<vmem>>
      %dma_start3A_295 = arith.constant 0 : i32
      %dma_start3A_296 = arith.constant 0 : i32
      %dma_start3A_297 = tpu.memref_slice %arg18[%dma_start3A_295, %dma_start3A_296] : memref<10240x128xf32, #tpu.memory_space<vmem_shared>> -> memref<10240x128xf32, #tpu.memory_space<vmem_shared>>
      tpu.enqueue_indirect_dma source(%arg17 : memref<128x128xf32, #tpu.memory_space<vmem>>) target(%dma_start3A_297 : memref<10240x128xf32, #tpu.memory_space<vmem_shared>>) offsets(%dma_start3A_294 : memref<128xi32, #tpu.memory_space<vmem>>) semaphore(%arg23 : memref<!tpu.dma_semaphore, #tpu.memory_space<semaphore_mem>>) {add = true}
      %dma_wait3A_298 = arith.constant 0 : i32
      %dma_wait3A_299 = arith.constant 0 : i32
      %dma_wait3A_300 = tpu.memref_slice %arg11[%dma_wait3A_298, %dma_wait3A_299] : memref<4x128xi32, #tpu.memory_space<vmem>> -> memref<1x128xi32, #tpu.memory_space<vmem>>
      %dma_wait3A_301 = tpu.memref_squeeze %dma_wait3A_300 : memref<1x128xi32, #tpu.memory_space<vmem>> -> memref<128xi32, #tpu.memory_space<vmem>>
      %dma_wait3A_302 = arith.constant 0 : i32
      %dma_wait3A_303 = arith.constant 0 : i32
      %dma_wait3A_304 = tpu.memref_slice %arg18[%dma_wait3A_302, %dma_wait3A_303] : memref<10240x128xf32, #tpu.memory_space<vmem_shared>> -> memref<10240x128xf32, #tpu.memory_space<vmem_shared>>
      tpu.wait_indirect_dma semaphore(%arg22 : memref<!tpu.dma_semaphore, #tpu.memory_space<semaphore_mem>>) src(%arg16 : memref<128x128xf32, #tpu.memory_space<vmem>>) dst(%dma_wait3A_304 : memref<10240x128xf32, #tpu.memory_space<vmem_shared>>)
      %dma_start3A_305 = arith.constant 2 : i32
      %dma_start3A_306 = arith.constant 0 : i32
      %dma_start3A_307 = tpu.memref_slice %arg13[%dma_start3A_305, %dma_start3A_306] : memref<4x128xi32, #tpu.memory_space<vmem>> -> memref<1x128xi32, #tpu.memory_space<vmem>>
      %dma_start3A_308 = tpu.memref_squeeze %dma_start3A_307 : memref<1x128xi32, #tpu.memory_space<vmem>> -> memref<128xi32, #tpu.memory_space<vmem>>
      %dma_start3A_309 = arith.constant 0 : i32
      %dma_start3A_310 = arith.constant 0 : i32
      %dma_start3A_311 = tpu.memref_slice %arg5[%dma_start3A_309, %dma_start3A_310] : memref<20000x128xf32, #tpu.memory_space<hbm>> -> memref<20000x128xf32, #tpu.memory_space<hbm>>
      tpu.enqueue_indirect_dma source(%dma_start3A_311 : memref<20000x128xf32, #tpu.memory_space<hbm>>) target(%arg16 : memref<128x128xf32, #tpu.memory_space<vmem>>) offsets(%dma_start3A_308 : memref<128xi32, #tpu.memory_space<vmem>>) semaphore(%arg20 : memref<!tpu.dma_semaphore, #tpu.memory_space<semaphore_mem>>)
      %eq3A_312 = arith.constant 1 : i32
      %eq3A_313 = arith.cmpi eq, %arg0, %eq3A_312 : i32
      %convert_element_type3A_314 = arith.extui %eq3A_313 : i1 to i32
      %cond3A_315 = arith.constant 1 : i32
      %cond3A_316 = arith.constant 1 : i32
      %cond3A_317 = arith.constant 0 : i32
      %cond3A_318 = arith.cmpi ne, %convert_element_type3A_314, %cond3A_317 : i32
      scf.if %cond3A_318 {
        "tpu.region"() ({
          %run_scoped3A = tpu.sem_alloc : memref<!tpu.dma_semaphore, #tpu.memory_space<semaphore_mem>>
          %dma_start3A_387 = arith.constant 0 : i32
          %dma_start3A_388 = tpu.memref_slice %arg15[%cond3A_315, %dma_start3A_387] : memref<4x128xf32, #tpu.memory_space<vmem>> -> memref<1x128xf32, #tpu.memory_space<vmem>>
          %dma_start3A_389 = tpu.memref_squeeze %dma_start3A_388 : memref<1x128xf32, #tpu.memory_space<vmem>> -> memref<128xf32, #tpu.memory_space<vmem>>
          %dma_start3A_390 = arith.constant 0 : i32
          %dma_start3A_391 = tpu.memref_slice %arg14[%cond3A_316, %dma_start3A_390] : memref<4x128xi32, #tpu.memory_space<vmem>> -> memref<1x128xi32, #tpu.memory_space<vmem>>
          %dma_start3A_392 = tpu.memref_squeeze %dma_start3A_391 : memref<1x128xi32, #tpu.memory_space<vmem>> -> memref<128xi32, #tpu.memory_space<vmem>>
          %dma_start3A_393 = arith.constant 0 : i32
          %dma_start3A_394 = tpu.memref_slice %arg19[%dma_start3A_393] : memref<10240xf32, #tpu.memory_space<vmem_shared>> -> memref<10240xf32, #tpu.memory_space<vmem_shared>>
          tpu.enqueue_indirect_dma source(%dma_start3A_389 : memref<128xf32, #tpu.memory_space<vmem>>) target(%dma_start3A_394 : memref<10240xf32, #tpu.memory_space<vmem_shared>>) offsets(%dma_start3A_392 : memref<128xi32, #tpu.memory_space<vmem>>) semaphore(%run_scoped3A : memref<!tpu.dma_semaphore, #tpu.memory_space<semaphore_mem>>) {add = true}
          %dma_wait3A_395 = arith.constant 0 : i32
          %dma_wait3A_396 = tpu.memref_slice %arg15[%cond3A_315, %dma_wait3A_395] : memref<4x128xf32, #tpu.memory_space<vmem>> -> memref<1x128xf32, #tpu.memory_space<vmem>>
          %dma_wait3A_397 = tpu.memref_squeeze %dma_wait3A_396 : memref<1x128xf32, #tpu.memory_space<vmem>> -> memref<128xf32, #tpu.memory_space<vmem>>
          %dma_wait3A_398 = arith.constant 0 : i32
          %dma_wait3A_399 = tpu.memref_slice %arg14[%cond3A_316, %dma_wait3A_398] : memref<4x128xi32, #tpu.memory_space<vmem>> -> memref<1x128xi32, #tpu.memory_space<vmem>>
          %dma_wait3A_400 = tpu.memref_squeeze %dma_wait3A_399 : memref<1x128xi32, #tpu.memory_space<vmem>> -> memref<128xi32, #tpu.memory_space<vmem>>
          %dma_wait3A_401 = arith.constant 0 : i32
          %dma_wait3A_402 = tpu.memref_slice %arg19[%dma_wait3A_401] : memref<10240xf32, #tpu.memory_space<vmem_shared>> -> memref<10240xf32, #tpu.memory_space<vmem_shared>>
          tpu.wait_indirect_dma semaphore(%run_scoped3A : memref<!tpu.dma_semaphore, #tpu.memory_space<semaphore_mem>>) src(%dma_wait3A_397 : memref<128xf32, #tpu.memory_space<vmem>>) dst(%dma_wait3A_402 : memref<10240xf32, #tpu.memory_space<vmem_shared>>)
          tpu.yield
        }) : () -> ()
      } else {
      }
      %dma_wait3A_319 = arith.constant 2 : i32
      %dma_wait3A_320 = arith.constant 0 : i32
      %dma_wait3A_321 = tpu.memref_slice %arg13[%dma_wait3A_319, %dma_wait3A_320] : memref<4x128xi32, #tpu.memory_space<vmem>> -> memref<1x128xi32, #tpu.memory_space<vmem>>
      %dma_wait3A_322 = tpu.memref_squeeze %dma_wait3A_321 : memref<1x128xi32, #tpu.memory_space<vmem>> -> memref<128xi32, #tpu.memory_space<vmem>>
      %dma_wait3A_323 = arith.constant 0 : i32
      %dma_wait3A_324 = arith.constant 0 : i32
      %dma_wait3A_325 = tpu.memref_slice %arg5[%dma_wait3A_323, %dma_wait3A_324] : memref<20000x128xf32, #tpu.memory_space<hbm>> -> memref<20000x128xf32, #tpu.memory_space<hbm>>
      tpu.wait_indirect_dma semaphore(%arg20 : memref<!tpu.dma_semaphore, #tpu.memory_space<semaphore_mem>>) src(%dma_wait3A_325 : memref<20000x128xf32, #tpu.memory_space<hbm>>) dst(%arg16 : memref<128x128xf32, #tpu.memory_space<vmem>>)
      %dma_start3A_326 = arith.constant 2 : i32
      %dma_start3A_327 = arith.constant 0 : i32
      %dma_start3A_328 = tpu.memref_slice %arg14[%dma_start3A_326, %dma_start3A_327] : memref<4x128xi32, #tpu.memory_space<vmem>> -> memref<1x128xi32, #tpu.memory_space<vmem>>
      %dma_start3A_329 = tpu.memref_squeeze %dma_start3A_328 : memref<1x128xi32, #tpu.memory_space<vmem>> -> memref<128xi32, #tpu.memory_space<vmem>>
      %dma_start3A_330 = arith.constant 0 : i32
      %dma_start3A_331 = arith.constant 0 : i32
      %dma_start3A_332 = tpu.memref_slice %arg18[%dma_start3A_330, %dma_start3A_331] : memref<10240x128xf32, #tpu.memory_space<vmem_shared>> -> memref<10240x128xf32, #tpu.memory_space<vmem_shared>>
      tpu.enqueue_indirect_dma source(%arg16 : memref<128x128xf32, #tpu.memory_space<vmem>>) target(%dma_start3A_332 : memref<10240x128xf32, #tpu.memory_space<vmem_shared>>) offsets(%dma_start3A_329 : memref<128xi32, #tpu.memory_space<vmem>>) semaphore(%arg22 : memref<!tpu.dma_semaphore, #tpu.memory_space<semaphore_mem>>) {add = true}
      %dma_wait3A_333 = arith.constant 0 : i32
      %dma_wait3A_334 = arith.constant 0 : i32
      %dma_wait3A_335 = tpu.memref_slice %arg11[%dma_wait3A_333, %dma_wait3A_334] : memref<4x128xi32, #tpu.memory_space<vmem>> -> memref<1x128xi32, #tpu.memory_space<vmem>>
      %dma_wait3A_336 = tpu.memref_squeeze %dma_wait3A_335 : memref<1x128xi32, #tpu.memory_space<vmem>> -> memref<128xi32, #tpu.memory_space<vmem>>
      %dma_wait3A_337 = arith.constant 0 : i32
      %dma_wait3A_338 = arith.constant 0 : i32
      %dma_wait3A_339 = tpu.memref_slice %arg18[%dma_wait3A_337, %dma_wait3A_338] : memref<10240x128xf32, #tpu.memory_space<vmem_shared>> -> memref<10240x128xf32, #tpu.memory_space<vmem_shared>>
      tpu.wait_indirect_dma semaphore(%arg23 : memref<!tpu.dma_semaphore, #tpu.memory_space<semaphore_mem>>) src(%arg17 : memref<128x128xf32, #tpu.memory_space<vmem>>) dst(%dma_wait3A_339 : memref<10240x128xf32, #tpu.memory_space<vmem_shared>>)
      %dma_start3A_340 = arith.constant 3 : i32
      %dma_start3A_341 = arith.constant 0 : i32
      %dma_start3A_342 = tpu.memref_slice %arg13[%dma_start3A_340, %dma_start3A_341] : memref<4x128xi32, #tpu.memory_space<vmem>> -> memref<1x128xi32, #tpu.memory_space<vmem>>
      %dma_start3A_343 = tpu.memref_squeeze %dma_start3A_342 : memref<1x128xi32, #tpu.memory_space<vmem>> -> memref<128xi32, #tpu.memory_space<vmem>>
      %dma_start3A_344 = arith.constant 0 : i32
      %dma_start3A_345 = arith.constant 0 : i32
      %dma_start3A_346 = tpu.memref_slice %arg5[%dma_start3A_344, %dma_start3A_345] : memref<20000x128xf32, #tpu.memory_space<hbm>> -> memref<20000x128xf32, #tpu.memory_space<hbm>>
      tpu.enqueue_indirect_dma source(%dma_start3A_346 : memref<20000x128xf32, #tpu.memory_space<hbm>>) target(%arg17 : memref<128x128xf32, #tpu.memory_space<vmem>>) offsets(%dma_start3A_343 : memref<128xi32, #tpu.memory_space<vmem>>) semaphore(%arg21 : memref<!tpu.dma_semaphore, #tpu.memory_space<semaphore_mem>>)
      %eq3A_347 = arith.constant 0 : i32
      %eq3A_348 = arith.cmpi eq, %arg0, %eq3A_347 : i32
      %convert_element_type3A_349 = arith.extui %eq3A_348 : i1 to i32
      %cond3A_350 = arith.constant 2 : i32
      %cond3A_351 = arith.constant 2 : i32
      %cond3A_352 = arith.constant 0 : i32
      %cond3A_353 = arith.cmpi ne, %convert_element_type3A_349, %cond3A_352 : i32
      scf.if %cond3A_353 {
        "tpu.region"() ({
          %run_scoped3A = tpu.sem_alloc : memref<!tpu.dma_semaphore, #tpu.memory_space<semaphore_mem>>
          %dma_start3A_387 = arith.constant 0 : i32
          %dma_start3A_388 = tpu.memref_slice %arg15[%cond3A_350, %dma_start3A_387] : memref<4x128xf32, #tpu.memory_space<vmem>> -> memref<1x128xf32, #tpu.memory_space<vmem>>
          %dma_start3A_389 = tpu.memref_squeeze %dma_start3A_388 : memref<1x128xf32, #tpu.memory_space<vmem>> -> memref<128xf32, #tpu.memory_space<vmem>>
          %dma_start3A_390 = arith.constant 0 : i32
          %dma_start3A_391 = tpu.memref_slice %arg14[%cond3A_351, %dma_start3A_390] : memref<4x128xi32, #tpu.memory_space<vmem>> -> memref<1x128xi32, #tpu.memory_space<vmem>>
          %dma_start3A_392 = tpu.memref_squeeze %dma_start3A_391 : memref<1x128xi32, #tpu.memory_space<vmem>> -> memref<128xi32, #tpu.memory_space<vmem>>
          %dma_start3A_393 = arith.constant 0 : i32
          %dma_start3A_394 = tpu.memref_slice %arg19[%dma_start3A_393] : memref<10240xf32, #tpu.memory_space<vmem_shared>> -> memref<10240xf32, #tpu.memory_space<vmem_shared>>
          tpu.enqueue_indirect_dma source(%dma_start3A_389 : memref<128xf32, #tpu.memory_space<vmem>>) target(%dma_start3A_394 : memref<10240xf32, #tpu.memory_space<vmem_shared>>) offsets(%dma_start3A_392 : memref<128xi32, #tpu.memory_space<vmem>>) semaphore(%run_scoped3A : memref<!tpu.dma_semaphore, #tpu.memory_space<semaphore_mem>>) {add = true}
          %dma_wait3A_395 = arith.constant 0 : i32
          %dma_wait3A_396 = tpu.memref_slice %arg15[%cond3A_350, %dma_wait3A_395] : memref<4x128xf32, #tpu.memory_space<vmem>> -> memref<1x128xf32, #tpu.memory_space<vmem>>
          %dma_wait3A_397 = tpu.memref_squeeze %dma_wait3A_396 : memref<1x128xf32, #tpu.memory_space<vmem>> -> memref<128xf32, #tpu.memory_space<vmem>>
          %dma_wait3A_398 = arith.constant 0 : i32
          %dma_wait3A_399 = tpu.memref_slice %arg14[%cond3A_351, %dma_wait3A_398] : memref<4x128xi32, #tpu.memory_space<vmem>> -> memref<1x128xi32, #tpu.memory_space<vmem>>
          %dma_wait3A_400 = tpu.memref_squeeze %dma_wait3A_399 : memref<1x128xi32, #tpu.memory_space<vmem>> -> memref<128xi32, #tpu.memory_space<vmem>>
          %dma_wait3A_401 = arith.constant 0 : i32
          %dma_wait3A_402 = tpu.memref_slice %arg19[%dma_wait3A_401] : memref<10240xf32, #tpu.memory_space<vmem_shared>> -> memref<10240xf32, #tpu.memory_space<vmem_shared>>
          tpu.wait_indirect_dma semaphore(%run_scoped3A : memref<!tpu.dma_semaphore, #tpu.memory_space<semaphore_mem>>) src(%dma_wait3A_397 : memref<128xf32, #tpu.memory_space<vmem>>) dst(%dma_wait3A_402 : memref<10240xf32, #tpu.memory_space<vmem_shared>>)
          tpu.yield
        }) : () -> ()
      } else {
      }
      %dma_wait3A_354 = arith.constant 3 : i32
      %dma_wait3A_355 = arith.constant 0 : i32
      %dma_wait3A_356 = tpu.memref_slice %arg13[%dma_wait3A_354, %dma_wait3A_355] : memref<4x128xi32, #tpu.memory_space<vmem>> -> memref<1x128xi32, #tpu.memory_space<vmem>>
      %dma_wait3A_357 = tpu.memref_squeeze %dma_wait3A_356 : memref<1x128xi32, #tpu.memory_space<vmem>> -> memref<128xi32, #tpu.memory_space<vmem>>
      %dma_wait3A_358 = arith.constant 0 : i32
      %dma_wait3A_359 = arith.constant 0 : i32
      %dma_wait3A_360 = tpu.memref_slice %arg5[%dma_wait3A_358, %dma_wait3A_359] : memref<20000x128xf32, #tpu.memory_space<hbm>> -> memref<20000x128xf32, #tpu.memory_space<hbm>>
      tpu.wait_indirect_dma semaphore(%arg21 : memref<!tpu.dma_semaphore, #tpu.memory_space<semaphore_mem>>) src(%dma_wait3A_360 : memref<20000x128xf32, #tpu.memory_space<hbm>>) dst(%arg17 : memref<128x128xf32, #tpu.memory_space<vmem>>)
      %dma_start3A_361 = arith.constant 3 : i32
      %dma_start3A_362 = arith.constant 0 : i32
      %dma_start3A_363 = tpu.memref_slice %arg14[%dma_start3A_361, %dma_start3A_362] : memref<4x128xi32, #tpu.memory_space<vmem>> -> memref<1x128xi32, #tpu.memory_space<vmem>>
      %dma_start3A_364 = tpu.memref_squeeze %dma_start3A_363 : memref<1x128xi32, #tpu.memory_space<vmem>> -> memref<128xi32, #tpu.memory_space<vmem>>
      %dma_start3A_365 = arith.constant 0 : i32
      %dma_start3A_366 = arith.constant 0 : i32
      %dma_start3A_367 = tpu.memref_slice %arg18[%dma_start3A_365, %dma_start3A_366] : memref<10240x128xf32, #tpu.memory_space<vmem_shared>> -> memref<10240x128xf32, #tpu.memory_space<vmem_shared>>
      tpu.enqueue_indirect_dma source(%arg17 : memref<128x128xf32, #tpu.memory_space<vmem>>) target(%dma_start3A_367 : memref<10240x128xf32, #tpu.memory_space<vmem_shared>>) offsets(%dma_start3A_364 : memref<128xi32, #tpu.memory_space<vmem>>) semaphore(%arg23 : memref<!tpu.dma_semaphore, #tpu.memory_space<semaphore_mem>>) {add = true}
      %dma_wait3A_368 = arith.constant 0 : i32
      %dma_wait3A_369 = arith.constant 0 : i32
      %dma_wait3A_370 = tpu.memref_slice %arg11[%dma_wait3A_368, %dma_wait3A_369] : memref<4x128xi32, #tpu.memory_space<vmem>> -> memref<1x128xi32, #tpu.memory_space<vmem>>
      %dma_wait3A_371 = tpu.memref_squeeze %dma_wait3A_370 : memref<1x128xi32, #tpu.memory_space<vmem>> -> memref<128xi32, #tpu.memory_space<vmem>>
      %dma_wait3A_372 = arith.constant 0 : i32
      %dma_wait3A_373 = arith.constant 0 : i32
      %dma_wait3A_374 = tpu.memref_slice %arg18[%dma_wait3A_372, %dma_wait3A_373] : memref<10240x128xf32, #tpu.memory_space<vmem_shared>> -> memref<10240x128xf32, #tpu.memory_space<vmem_shared>>
      tpu.wait_indirect_dma semaphore(%arg22 : memref<!tpu.dma_semaphore, #tpu.memory_space<semaphore_mem>>) src(%arg16 : memref<128x128xf32, #tpu.memory_space<vmem>>) dst(%dma_wait3A_374 : memref<10240x128xf32, #tpu.memory_space<vmem_shared>>)
      %lt3A_375 = arith.constant 9 : i32
      %lt3A_376 = arith.cmpi slt, %scan3A_92, %lt3A_375 : i32
      %convert_element_type3A_377 = arith.extui %lt3A_376 : i1 to i32
      %cond3A_378 = arith.constant 0 : i32
      %cond3A_379 = arith.cmpi ne, %convert_element_type3A_377, %cond3A_378 : i32
      scf.if %cond3A_379 {
        %dma_wait3A_387 = arith.constant 0 : i32
        %dma_wait3A_388 = arith.constant 0 : i32
        %dma_wait3A_389 = tpu.memref_slice %arg2[%dma_wait3A_387, %dma_wait3A_388] : memref<2560x128xi32, #tpu.memory_space<hbm>> -> memref<4x128xi32, #tpu.memory_space<hbm>>
        %dma_wait3A_390 = arith.constant 0 : i32
        %dma_wait3A_391 = arith.constant 0 : i32
        %dma_wait3A_392 = tpu.memref_slice %arg2[%dma_wait3A_390, %dma_wait3A_391] : memref<2560x128xi32, #tpu.memory_space<hbm>> -> memref<4x128xi32, #tpu.memory_space<hbm>>
        tpu.wait_dma2 semaphore(%arg24 : memref<!tpu.dma_semaphore, #tpu.memory_space<semaphore_mem>>) src(%dma_wait3A_392 : memref<4x128xi32, #tpu.memory_space<hbm>>) dst(%arg10 : memref<4x128xi32, #tpu.memory_space<vmem>>)
        %dma_wait3A_393 = arith.constant 0 : i32
        %dma_wait3A_394 = arith.constant 0 : i32
        %dma_wait3A_395 = tpu.memref_slice %arg3[%dma_wait3A_393, %dma_wait3A_394] : memref<1280x128xi32, #tpu.memory_space<hbm>> -> memref<4x128xi32, #tpu.memory_space<hbm>>
        %dma_wait3A_396 = arith.constant 0 : i32
        %dma_wait3A_397 = arith.constant 0 : i32
        %dma_wait3A_398 = tpu.memref_slice %arg3[%dma_wait3A_396, %dma_wait3A_397] : memref<1280x128xi32, #tpu.memory_space<hbm>> -> memref<4x128xi32, #tpu.memory_space<hbm>>
        tpu.wait_dma2 semaphore(%arg24 : memref<!tpu.dma_semaphore, #tpu.memory_space<semaphore_mem>>) src(%dma_wait3A_398 : memref<4x128xi32, #tpu.memory_space<hbm>>) dst(%arg11 : memref<4x128xi32, #tpu.memory_space<vmem>>)
        %dma_wait3A_399 = arith.constant 0 : i32
        %dma_wait3A_400 = arith.constant 0 : i32
        %dma_wait3A_401 = tpu.memref_slice %arg4[%dma_wait3A_399, %dma_wait3A_400] : memref<1280x128xf32, #tpu.memory_space<hbm>> -> memref<4x128xf32, #tpu.memory_space<hbm>>
        %dma_wait3A_402 = arith.constant 0 : i32
        %dma_wait3A_403 = arith.constant 0 : i32
        %dma_wait3A_404 = tpu.memref_slice %arg4[%dma_wait3A_402, %dma_wait3A_403] : memref<1280x128xf32, #tpu.memory_space<hbm>> -> memref<4x128xf32, #tpu.memory_space<hbm>>
        tpu.wait_dma2 semaphore(%arg24 : memref<!tpu.dma_semaphore, #tpu.memory_space<semaphore_mem>>) src(%dma_wait3A_404 : memref<4x128xf32, #tpu.memory_space<hbm>>) dst(%arg12 : memref<4x128xf32, #tpu.memory_space<vmem>>)
        %dma_start3A_405 = arith.constant 0 : i32
        %dma_start3A_406 = arith.constant 0 : i32
        %dma_start3A_407 = tpu.memref_slice %arg10[%dma_start3A_405, %dma_start3A_406] : memref<4x128xi32, #tpu.memory_space<vmem>> -> memref<1x128xi32, #tpu.memory_space<vmem>>
        %dma_start3A_408 = tpu.memref_squeeze %dma_start3A_407 : memref<1x128xi32, #tpu.memory_space<vmem>> -> memref<128xi32, #tpu.memory_space<vmem>>
        %dma_start3A_409 = arith.constant 0 : i32
        %dma_start3A_410 = arith.constant 0 : i32
        %dma_start3A_411 = tpu.memref_slice %arg5[%dma_start3A_409, %dma_start3A_410] : memref<20000x128xf32, #tpu.memory_space<hbm>> -> memref<20000x128xf32, #tpu.memory_space<hbm>>
        tpu.enqueue_indirect_dma source(%dma_start3A_411 : memref<20000x128xf32, #tpu.memory_space<hbm>>) target(%arg16 : memref<128x128xf32, #tpu.memory_space<vmem>>) offsets(%dma_start3A_408 : memref<128xi32, #tpu.memory_space<vmem>>) semaphore(%arg20 : memref<!tpu.dma_semaphore, #tpu.memory_space<semaphore_mem>>)
      } else {
      }
      %eq3A_380 = arith.constant 1 : i32
      %eq3A_381 = arith.cmpi eq, %arg0, %eq3A_380 : i32
      %convert_element_type3A_382 = arith.extui %eq3A_381 : i1 to i32
      %cond3A_383 = arith.constant 3 : i32
      %cond3A_384 = arith.constant 3 : i32
      %cond3A_385 = arith.constant 0 : i32
      %cond3A_386 = arith.cmpi ne, %convert_element_type3A_382, %cond3A_385 : i32
      scf.if %cond3A_386 {
        "tpu.region"() ({
          %run_scoped3A = tpu.sem_alloc : memref<!tpu.dma_semaphore, #tpu.memory_space<semaphore_mem>>
          %dma_start3A_387 = arith.constant 0 : i32
          %dma_start3A_388 = tpu.memref_slice %arg15[%cond3A_383, %dma_start3A_387] : memref<4x128xf32, #tpu.memory_space<vmem>> -> memref<1x128xf32, #tpu.memory_space<vmem>>
          %dma_start3A_389 = tpu.memref_squeeze %dma_start3A_388 : memref<1x128xf32, #tpu.memory_space<vmem>> -> memref<128xf32, #tpu.memory_space<vmem>>
          %dma_start3A_390 = arith.constant 0 : i32
          %dma_start3A_391 = tpu.memref_slice %arg14[%cond3A_384, %dma_start3A_390] : memref<4x128xi32, #tpu.memory_space<vmem>> -> memref<1x128xi32, #tpu.memory_space<vmem>>
          %dma_start3A_392 = tpu.memref_squeeze %dma_start3A_391 : memref<1x128xi32, #tpu.memory_space<vmem>> -> memref<128xi32, #tpu.memory_space<vmem>>
          %dma_start3A_393 = arith.constant 0 : i32
          %dma_start3A_394 = tpu.memref_slice %arg19[%dma_start3A_393] : memref<10240xf32, #tpu.memory_space<vmem_shared>> -> memref<10240xf32, #tpu.memory_space<vmem_shared>>
          tpu.enqueue_indirect_dma source(%dma_start3A_389 : memref<128xf32, #tpu.memory_space<vmem>>) target(%dma_start3A_394 : memref<10240xf32, #tpu.memory_space<vmem_shared>>) offsets(%dma_start3A_392 : memref<128xi32, #tpu.memory_space<vmem>>) semaphore(%run_scoped3A : memref<!tpu.dma_semaphore, #tpu.memory_space<semaphore_mem>>) {add = true}
          %dma_wait3A_395 = arith.constant 0 : i32
          %dma_wait3A_396 = tpu.memref_slice %arg15[%cond3A_383, %dma_wait3A_395] : memref<4x128xf32, #tpu.memory_space<vmem>> -> memref<1x128xf32, #tpu.memory_space<vmem>>
          %dma_wait3A_397 = tpu.memref_squeeze %dma_wait3A_396 : memref<1x128xf32, #tpu.memory_space<vmem>> -> memref<128xf32, #tpu.memory_space<vmem>>
          %dma_wait3A_398 = arith.constant 0 : i32
          %dma_wait3A_399 = tpu.memref_slice %arg14[%cond3A_384, %dma_wait3A_398] : memref<4x128xi32, #tpu.memory_space<vmem>> -> memref<1x128xi32, #tpu.memory_space<vmem>>
          %dma_wait3A_400 = tpu.memref_squeeze %dma_wait3A_399 : memref<1x128xi32, #tpu.memory_space<vmem>> -> memref<128xi32, #tpu.memory_space<vmem>>
          %dma_wait3A_401 = arith.constant 0 : i32
          %dma_wait3A_402 = tpu.memref_slice %arg19[%dma_wait3A_401] : memref<10240xf32, #tpu.memory_space<vmem_shared>> -> memref<10240xf32, #tpu.memory_space<vmem_shared>>
          tpu.wait_indirect_dma semaphore(%run_scoped3A : memref<!tpu.dma_semaphore, #tpu.memory_space<semaphore_mem>>) src(%dma_wait3A_397 : memref<128xf32, #tpu.memory_space<vmem>>) dst(%dma_wait3A_402 : memref<10240xf32, #tpu.memory_space<vmem_shared>>)
          tpu.yield
        }) : () -> ()
      } else {
      }
    }
    %scan3A_72 = arith.constant 10 : i32
    %dma_wait3A_73 = arith.constant 0 : i32
    %dma_wait3A_74 = arith.constant 0 : i32
    %dma_wait3A_75 = tpu.memref_slice %arg11[%dma_wait3A_73, %dma_wait3A_74] : memref<4x128xi32, #tpu.memory_space<vmem>> -> memref<1x128xi32, #tpu.memory_space<vmem>>
    %dma_wait3A_76 = tpu.memref_squeeze %dma_wait3A_75 : memref<1x128xi32, #tpu.memory_space<vmem>> -> memref<128xi32, #tpu.memory_space<vmem>>
    %dma_wait3A_77 = arith.constant 0 : i32
    %dma_wait3A_78 = arith.constant 0 : i32
    %dma_wait3A_79 = tpu.memref_slice %arg18[%dma_wait3A_77, %dma_wait3A_78] : memref<10240x128xf32, #tpu.memory_space<vmem_shared>> -> memref<10240x128xf32, #tpu.memory_space<vmem_shared>>
    tpu.wait_indirect_dma semaphore(%arg23 : memref<!tpu.dma_semaphore, #tpu.memory_space<semaphore_mem>>) src(%arg17 : memref<128x128xf32, #tpu.memory_space<vmem>>) dst(%dma_wait3A_79 : memref<10240x128xf32, #tpu.memory_space<vmem_shared>>)
    %barrier3A_80 = arith.constant 0 : index
    tpu.barrier barrier_id(%barrier3A_80)
    %mul3A_81 = arith.constant 640 : i32
    %mul3A_82 = arith.muli %arg1, %mul3A_81 : i32
    %mul3A_83 = arith.constant 640 : i32
    %mul3A_84 = arith.muli %arg1, %mul3A_83 : i32
    "tpu.region"() ({
      %run_scoped3A = tpu.sem_alloc : memref<!tpu.dma_semaphore, #tpu.memory_space<semaphore_mem>>
      %dma_start3A_92 = arith.constant 0 : i32
      %dma_start3A_93 = tpu.memref_slice %arg8[%arg0, %mul3A_84, %dma_start3A_92] : memref<2x10240x128xf32, #tpu.memory_space<hbm>> -> memref<1x640x128xf32, #tpu.memory_space<hbm>>
      %dma_start3A_94 = tpu.memref_squeeze %dma_start3A_93 : memref<1x640x128xf32, #tpu.memory_space<hbm>> -> memref<640x128xf32, #tpu.memory_space<hbm>>
      %dma_start3A_95 = arith.constant 0 : i32
      %dma_start3A_96 = tpu.memref_slice %arg18[%mul3A_82, %dma_start3A_95] : memref<10240x128xf32, #tpu.memory_space<vmem_shared>> -> memref<640x128xf32, #tpu.memory_space<vmem_shared>>
      tpu.enqueue_dma source(%dma_start3A_96 : memref<640x128xf32, #tpu.memory_space<vmem_shared>>) target(%dma_start3A_94 : memref<640x128xf32, #tpu.memory_space<hbm>>) target_semaphore(%run_scoped3A : memref<!tpu.dma_semaphore, #tpu.memory_space<semaphore_mem>>)
      %dma_wait3A_97 = arith.constant 0 : i32
      %dma_wait3A_98 = tpu.memref_slice %arg8[%arg0, %mul3A_84, %dma_wait3A_97] : memref<2x10240x128xf32, #tpu.memory_space<hbm>> -> memref<1x640x128xf32, #tpu.memory_space<hbm>>
      %dma_wait3A_99 = tpu.memref_squeeze %dma_wait3A_98 : memref<1x640x128xf32, #tpu.memory_space<hbm>> -> memref<640x128xf32, #tpu.memory_space<hbm>>
      %dma_wait3A_100 = arith.constant 0 : i32
      %dma_wait3A_101 = tpu.memref_slice %arg18[%mul3A_82, %dma_wait3A_100] : memref<10240x128xf32, #tpu.memory_space<vmem_shared>> -> memref<640x128xf32, #tpu.memory_space<vmem_shared>>
      tpu.wait_dma2 semaphore(%run_scoped3A : memref<!tpu.dma_semaphore, #tpu.memory_space<semaphore_mem>>) src(%dma_wait3A_101 : memref<640x128xf32, #tpu.memory_space<vmem_shared>>) dst(%dma_wait3A_99 : memref<640x128xf32, #tpu.memory_space<hbm>>)
      tpu.yield
    }) : () -> ()
    %mul3A_85 = arith.constant 640 : i32
    %mul3A_86 = arith.muli %arg1, %mul3A_85 : i32
    %mul3A_87 = arith.constant 10240 : i32
    %mul3A_88 = arith.muli %arg0, %mul3A_87 : i32
    %mul3A_89 = arith.constant 640 : i32
    %mul3A_90 = arith.muli %arg1, %mul3A_89 : i32
    %add3A_91 = arith.addi %mul3A_88, %mul3A_90 : i32
    "tpu.region"() ({
      %run_scoped3A = tpu.sem_alloc : memref<!tpu.dma_semaphore, #tpu.memory_space<semaphore_mem>>
      %dma_start3A_92 = tpu.memref_slice %arg9[%add3A_91] : memref<20480xf32, #tpu.memory_space<hbm>> -> memref<640xf32, #tpu.memory_space<hbm>>
      %dma_start3A_93 = tpu.memref_slice %arg19[%mul3A_86] : memref<10240xf32, #tpu.memory_space<vmem_shared>> -> memref<640xf32, #tpu.memory_space<vmem_shared>>
      tpu.enqueue_dma source(%dma_start3A_93 : memref<640xf32, #tpu.memory_space<vmem_shared>>) target(%dma_start3A_92 : memref<640xf32, #tpu.memory_space<hbm>>) target_semaphore(%run_scoped3A : memref<!tpu.dma_semaphore, #tpu.memory_space<semaphore_mem>>)
      %dma_wait3A_94 = tpu.memref_slice %arg9[%add3A_91] : memref<20480xf32, #tpu.memory_space<hbm>> -> memref<640xf32, #tpu.memory_space<hbm>>
      %dma_wait3A_95 = tpu.memref_slice %arg19[%mul3A_86] : memref<10240xf32, #tpu.memory_space<vmem_shared>> -> memref<640xf32, #tpu.memory_space<vmem_shared>>
      tpu.wait_dma2 semaphore(%run_scoped3A : memref<!tpu.dma_semaphore, #tpu.memory_space<semaphore_mem>>) src(%dma_wait3A_95 : memref<640xf32, #tpu.memory_space<vmem_shared>>) dst(%dma_wait3A_94 : memref<640xf32, #tpu.memory_space<hbm>>)
      tpu.yield
    }) : () -> ()
    return
  }
}

module attributes {stable_mosaic.version = 14 : i64} {
  func.func @_tc_body(%arg0: i32, %arg1: memref<2000x256xf32, #tpu.memory_space<vmem>>, %arg2: memref<2x2000x128xf32, #tpu.memory_space<vmem>>, %arg3: memref<2000x2xf32, #tpu.memory_space<vmem>>, %arg4: memref<256x256xf32, #tpu.memory_space<vmem>>, %arg5: memref<2x128x256xf32, #tpu.memory_space<vmem>>, %arg6: memref<2x256xf32, #tpu.memory_space<vmem>>, %arg7: memref<2000x256xf32, #tpu.memory_space<vmem>>) attributes {dimension_semantics = [#tpu.dimension_semantics<arbitrary>], iteration_bounds = array<i64: 5>, scalar_prefetch = 0 : i64, scratch_operands = 0 : i64, tpu.core_type = #tpu.core_type<tc>, window_params = [{transform_indices = @transform_0, window_bounds = array<i64: 2000, 256>}, {transform_indices = @transform_1, window_bounds = array<i64: 2, 2000, 128>}, {transform_indices = @transform_2, window_bounds = array<i64: 2000, 2>}, {pipeline_mode = #tpu.pipeline_mode<synchronous>, transform_indices = @transform_3, window_bounds = array<i64: 256, 256>}, {pipeline_mode = #tpu.pipeline_mode<synchronous>, transform_indices = @transform_4, window_bounds = array<i64: 2, 128, 256>}, {pipeline_mode = #tpu.pipeline_mode<synchronous>, transform_indices = @transform_5, window_bounds = array<i64: 2, 256>}, {transform_indices = @transform_6, window_bounds = array<i64: 2000, 256>}]} {
    %get3A = arith.constant 0 : index
    %get3A_0 = arith.constant 0 : index
    %get3A_1 = vector.load %arg1[%get3A, %get3A_0] : memref<2000x256xf32, #tpu.memory_space<vmem>>, vector<2000x256xf32>
    %get3A_2 = arith.constant 0 : index
    %get3A_3 = arith.constant 0 : index
    %get3A_4 = vector.load %arg4[%get3A_2, %get3A_3] : memref<256x256xf32, #tpu.memory_space<vmem>>, vector<256x256xf32>
    %dot_general3A = arith.constant dense<0.000000e+00> : vector<2000x256xf32>
    %dot_general3A_5 = tpu.matmul %get3A_1, %get3A_4, %dot_general3A {dimension_numbers = #tpu.dot_dimension_numbers<[1], [0], [0], [1], [0, 0, 1, 1], [], []>, transpose_lhs_hint = false} : vector<2000x256xf32>, vector<256x256xf32>, vector<2000x256xf32> -> vector<2000x256xf32>
    %get3A_6 = arith.constant 0 : index
    %get3A_7 = arith.constant 0 : index
    %get3A_8 = arith.constant 0 : index
    %get3A_9 = vector.load %arg2[%get3A_6, %get3A_7, %get3A_8] : memref<2x2000x128xf32, #tpu.memory_space<vmem>>, vector<1x2000x128xf32>
    %get3A_10 = vector.shape_cast %get3A_9 : vector<1x2000x128xf32> to vector<2000x128xf32>
    %get3A_11 = arith.constant 0 : index
    %get3A_12 = arith.constant 0 : index
    %get3A_13 = arith.constant 0 : index
    %get3A_14 = vector.load %arg5[%get3A_11, %get3A_12, %get3A_13] : memref<2x128x256xf32, #tpu.memory_space<vmem>>, vector<1x128x256xf32>
    %get3A_15 = vector.shape_cast %get3A_14 : vector<1x128x256xf32> to vector<128x256xf32>
    %dot_general3A_16 = arith.constant dense<0.000000e+00> : vector<2000x256xf32>
    %dot_general3A_17 = tpu.matmul %get3A_10, %get3A_15, %dot_general3A_16 {dimension_numbers = #tpu.dot_dimension_numbers<[1], [0], [0], [1], [0, 0, 1, 1], [], []>, transpose_lhs_hint = false} : vector<2000x128xf32>, vector<128x256xf32>, vector<2000x256xf32> -> vector<2000x256xf32>
    %add3A = arith.addf %dot_general3A_5, %dot_general3A_17 : vector<2000x256xf32>
    %get3A_18 = arith.constant 1 : index
    %get3A_19 = arith.constant 0 : index
    %get3A_20 = arith.constant 0 : index
    %get3A_21 = vector.load %arg2[%get3A_18, %get3A_19, %get3A_20] : memref<2x2000x128xf32, #tpu.memory_space<vmem>>, vector<1x2000x128xf32>
    %get3A_22 = vector.shape_cast %get3A_21 : vector<1x2000x128xf32> to vector<2000x128xf32>
    %get3A_23 = arith.constant 1 : index
    %get3A_24 = arith.constant 0 : index
    %get3A_25 = arith.constant 0 : index
    %get3A_26 = vector.load %arg5[%get3A_23, %get3A_24, %get3A_25] : memref<2x128x256xf32, #tpu.memory_space<vmem>>, vector<1x128x256xf32>
    %get3A_27 = vector.shape_cast %get3A_26 : vector<1x128x256xf32> to vector<128x256xf32>
    %dot_general3A_28 = arith.constant dense<0.000000e+00> : vector<2000x256xf32>
    %dot_general3A_29 = tpu.matmul %get3A_22, %get3A_27, %dot_general3A_28 {dimension_numbers = #tpu.dot_dimension_numbers<[1], [0], [0], [1], [0, 0, 1, 1], [], []>, transpose_lhs_hint = false} : vector<2000x128xf32>, vector<128x256xf32>, vector<2000x256xf32> -> vector<2000x256xf32>
    %add3A_30 = arith.addf %add3A, %dot_general3A_29 : vector<2000x256xf32>
    %get3A_31 = arith.constant 0 : index
    %get3A_32 = arith.constant 0 : index
    %get3A_33 = vector.load %arg3[%get3A_31, %get3A_32] : memref<2000x2xf32, #tpu.memory_space<vmem>>, vector<2000x1xf32>
    %get3A_34 = vector.shape_cast %get3A_33 : vector<2000x1xf32> to vector<2000xf32>
    %get3A_35 = arith.constant 0 : index
    %get3A_36 = arith.constant 1 : index
    %get3A_37 = vector.load %arg3[%get3A_35, %get3A_36] : memref<2000x2xf32, #tpu.memory_space<vmem>>, vector<2000x1xf32>
    %get3A_38 = vector.shape_cast %get3A_37 : vector<2000x1xf32> to vector<2000xf32>
    %add3A_39 = arith.addf %get3A_34, %get3A_38 : vector<2000xf32>
    %broadcast_in_dim3A = vector.shape_cast %add3A_39 : vector<2000xf32> to vector<2000x1xf32>
    %get3A_40 = arith.constant 0 : index
    %get3A_41 = arith.constant 0 : index
    %get3A_42 = vector.load %arg6[%get3A_40, %get3A_41] : memref<2x256xf32, #tpu.memory_space<vmem>>, vector<1x256xf32>
    %get3A_43 = vector.shape_cast %get3A_42 : vector<1x256xf32> to vector<256xf32>
    %broadcast_in_dim3A_44 = vector.shape_cast %get3A_43 : vector<256xf32> to vector<1x256xf32>
    %mul3A = vector.broadcast %broadcast_in_dim3A : vector<2000x1xf32> to vector<2000x256xf32>
    %mul3A_45 = vector.broadcast %broadcast_in_dim3A_44 : vector<1x256xf32> to vector<2000x256xf32>
    %mul3A_46 = arith.mulf %mul3A, %mul3A_45 : vector<2000x256xf32>
    %get3A_47 = arith.constant 1 : index
    %get3A_48 = arith.constant 0 : index
    %get3A_49 = vector.load %arg6[%get3A_47, %get3A_48] : memref<2x256xf32, #tpu.memory_space<vmem>>, vector<1x256xf32>
    %get3A_50 = vector.shape_cast %get3A_49 : vector<1x256xf32> to vector<256xf32>
    %broadcast_in_dim3A_51 = vector.shape_cast %get3A_50 : vector<256xf32> to vector<1x256xf32>
    %add3A_52 = vector.broadcast %broadcast_in_dim3A_51 : vector<1x256xf32> to vector<2000x256xf32>
    %add3A_53 = arith.addf %mul3A_46, %add3A_52 : vector<2000x256xf32>
    %add3A_54 = arith.addf %add3A_30, %add3A_53 : vector<2000x256xf32>
    %swap3A = arith.constant 0 : index
    %swap3A_55 = arith.constant 0 : index
    %swap3A_56 = vector.load %arg7[%swap3A, %swap3A_55] : memref<2000x256xf32, #tpu.memory_space<vmem>>, vector<2000x256xf32>
    tpu.vector_store %arg7[%swap3A, %swap3A_55], %add3A_54 {strides = array<i32>} : memref<2000x256xf32, #tpu.memory_space<vmem>>, vector<2000x256xf32>,
    return
  }
  func.func @transform_0(%arg0: i32) -> (i32, i32) {
    %c0_i32 = arith.constant 0 : i32
    %c0_i32_0 = arith.constant 0 : i32
    return %arg0, %c0_i32 : i32, i32
  }
  func.func @transform_1(%arg0: i32) -> (i32, i32, i32) {
    %c0_i32 = arith.constant 0 : i32
    %c0_i32_0 = arith.constant 0 : i32
    %c0_i32_1 = arith.constant 0 : i32
    return %c0_i32, %arg0, %c0_i32_0 : i32, i32, i32
  }
  func.func @transform_2(%arg0: i32) -> (i32, i32) {
    %c0_i32 = arith.constant 0 : i32
    %c0_i32_0 = arith.constant 0 : i32
    return %arg0, %c0_i32 : i32, i32
  }
  func.func @transform_3(%arg0: i32) -> (i32, i32) {
    %c0_i32 = arith.constant 0 : i32
    %c0_i32_0 = arith.constant 0 : i32
    %c0_i32_1 = arith.constant 0 : i32
    return %c0_i32, %c0_i32_0 : i32, i32
  }
  func.func @transform_4(%arg0: i32) -> (i32, i32, i32) {
    %c0_i32 = arith.constant 0 : i32
    %c0_i32_0 = arith.constant 0 : i32
    %c0_i32_1 = arith.constant 0 : i32
    %c0_i32_2 = arith.constant 0 : i32
    return %c0_i32, %c0_i32_0, %c0_i32_1 : i32, i32, i32
  }
  func.func @transform_5(%arg0: i32) -> (i32, i32) {
    %c0_i32 = arith.constant 0 : i32
    %c0_i32_0 = arith.constant 0 : i32
    %c0_i32_1 = arith.constant 0 : i32
    return %c0_i32, %c0_i32_0 : i32, i32
  }
  func.func @transform_6(%arg0: i32) -> (i32, i32) {
    %c0_i32 = arith.constant 0 : i32
    %c0_i32_0 = arith.constant 0 : i32
    return %arg0, %c0_i32 : i32, i32
  }
}

</mosaic_0001>

<sc_bundles>
// kernel: kernel.4.cloned.1.call-start
scs
__scs_entry_jumppad:
0x0: {  	(pc) =	sbr.rel $0x88, $3  }
0x1: {  	(tag) =	ssettag $0x0;
	lr =	simm.s32 $0x1  }
0x2: {  	[smem:$0x3F9C] =	sst lr;
	_ =	strace $0xD0000000  }
0x3: {  	_ = 	snop  }
0x4: {  	_ = 	snop  }
0x5: {  	_ = 	snop  }
0x6: {  	_ = 	snop  }
0x7: {  	_ = 	snop  }
__scs_overlays_trampoline_lowered:
0x8: {  	[smem:$0x3FAB] =	sst s0  }
0x9: {  	[smem:$0x3FAC] =	sst s1  }
0xa: {  	[smem:$0x3FAD] =	sst s2  }
0xb: {  	[smem:$0x3FAE] =	sst s3  }
0xc: {  	[smem:$0x3FAF] =	sst s4  }
0xd: {  	[smem:$0x3FB0] =	sst s5  }
0xe: {  	[smem:$0x3FB1] =	sst s6  }
0xf: {  	[smem:$0x3FB2] =	sst s7  }
0x10: {  	[smem:$0x3FB3] =	sst s8  }
0x11: {  	[smem:$0x3FB4] =	sst s9;
	s0 =	simm.s32 @!p0 $0x0  }
0x12: {  	s1 =	sld [smem:$0x3F9A];
	s0 =	simm.s32 @p0 $0x1  }
0x13: {  	[smem:$0x3FB5] =	sst s0;
	s0 =	simm.s32 @!p1 $0x0  }
0x14: {  	s2 =	sld [smem:$0x3F99];
	s0 =	simm.s32 @p1 $0x1  }
0x15: {  	[smem:$0x3FB6] =	sst s0;
	s0 =	simm.s32 @!p2 $0x0  }
0x16: {  	s3 =	sld [smem:$0x3FDB];
	s0 =	simm.s32 @p2 $0x1  }
0x17: {  	s4 =	simm.s32 $0x1BF5;
	[smem:$0x3FB8] =	sst s0  }
0x18: {  	s0 =	sld [smem:$0x3F9B];
	_ =	swait.ge [sflag:s4], $0x0  }
0x19: {  	s7 =	sld [smem:$0x3F9C]  }
0x1a: {  	s8 =	sadd.s32 $0xFFFFE003, lr  }
0x1b: {  	s9 =	sadd.s32 $0xFFFFFEF7, lr;
	s5 =	simm.s32 $0xFFFFFFFF;
	p2 =	slt.u32 s8, $0xFFFFF086  }
0x1c: {  	p1 =	slt.u32 s9, $0xF7A;
	s5 =	simm.s32 @!p2 $0x0  }
0x1d: {  	s5 =	simm.s32 @p1 $0x1;
	p0 =	seq.s32 s7, s2  }
0x1e: {  	s7 =	smul.u32 @!p0 $0xF7A, s2;
	p2 =	seq.s32 @!p0 s5, $0x0  }
0x1f: {  	s9 =	smul.u32 $0xF7A, s1;
	s8 =	simm.s32 @!p0 $0x1BF5;
	p2 =	por !p2, p0  }
0x20: {  	[sflag:s8] =	ssyncset.s32 @!p0 $0xFFFFF086;
	s6 =	sadd.s32 @!p0 s3, s7;
	s7 =	simm.s32 @!p0 $0x108  }
0x21: {  	s3 =	sadd.s32 s3, s9;
	s6 =	sadd.s32 @!p0 $0x88, s6;
	s7 =	simm.s32 @p2 $0x1082  }
0x22: {  	[simem:s7], [sflag:s8] =	dma.local @!p0 [hbm:s6], $0xF7A  }
0x23: {  	s9 =	sor.u32 $0xD0000000, s2;
	s6 =	simm.s32 $0x108;
	_ =	swait.ge @!p0 [sflag:s8], $0x0  }
0x24: {  	s3 =	sadd.s32 $0x88, s3;
	s6 =	simm.s32 @!p1 $0x1082;
	[sflag:s4] =	ssyncset.s32 $0xFFFFF086  }
0x25: {  	[simem:s6], [sflag:s4] =	dma.local [hbm:s3], $0xF7A  }
0x26: {  	[smem:$0x3F9C] =	sst s1;
	(tag) =	ssettag s2;
	_ =	strace s9  }
0x27: {  	s1 =	sld [smem:$0x3FAC]  }
0x28: {  	s2 =	sld [smem:$0x3FAD]  }
0x29: {  	s4 =	sld [smem:$0x3FAF]  }
0x2a: {  	p0 =	seq.s32 s5, $0x0;
	s5 =	sld [smem:$0x3FB0]  }
0x2b: {  	s6 =	sld [smem:$0x3FB1]  }
0x2c: {  	s7 =	sld [smem:$0x3FB2]  }
0x2d: {  	s3 =	simm.s32 $0x108;
	s8 =	sld [smem:$0x3FB3]  }
0x2e: {  	s3 =	simm.s32 @!p0 $0x1082;
	s9 =	sld [smem:$0x3FB4]  }
0x2f: {  	lr =	sadd.s32 s0, s3;
	s0 =	sld [smem:$0x3FAB]  }
0x30: {  	s3 =	sld [smem:$0x3FAE]  }
0x31: {  	[smem:$0x3FB7] =	sst s10  }
0x32: {  	s10 =	sld [smem:$0x3FB5];
	_ =	sdelay $0x3  }
0x33: {  	p0 =	seq.s32 s10, $0x1;
	s10 =	sld [smem:$0x3FB7];
	_ =	sdelay $0x3  }
0x34: {  	[smem:$0x3FB7] =	sst s10  }
0x35: {  	s10 =	sld [smem:$0x3FB6];
	_ =	sdelay $0x3  }
0x36: {  	p1 =	seq.s32 s10, $0x1;
	s10 =	sld [smem:$0x3FB7];
	_ =	sdelay $0x3  }
0x37: {  	[smem:$0x3FB7] =	sst s10  }
0x38: {  	s10 =	sld [smem:$0x3FB8]  }
0x39: {  	_ = 	snop;
	(pc) =	sbr.ind lr, $3  }
0x3a: {  	_ = 	snop  }
0x3b: {  	_ = 	snop  }
0x3c: {  	p2 =	seq.s32 s10, $0x1;
	s10 =	sld [smem:$0x3FB7]  }
0x3d: {  	_ =	shalt  }
0x3e: {  	_ =	shalt  }
0x3f: {  	_ =	shalt  }
0x40: {  	_ =	shalt  }
0x41: {  	_ =	shalt  }
0x42: {  	_ =	shalt  }
0x43: {  	_ =	shalt  }
0x44: {  	_ =	shalt  }
0x45: {  	_ =	shalt  }
0x46: {  	_ =	shalt  }
0x47: {  	_ =	shalt  }
0x48: {  	_ =	shalt  }
0x49: {  	_ =	shalt  }
0x4a: {  	_ =	shalt  }
0x4b: {  	_ =	shalt  }
0x4c: {  	_ =	shalt  }
0x4d: {  	_ =	shalt  }
0x4e: {  	_ =	shalt  }
0x4f: {  	_ =	shalt  }
0x50: {  	_ =	shalt  }
0x51: {  	_ =	shalt  }
0x52: {  	_ =	shalt  }
0x53: {  	_ =	shalt  }
0x54: {  	_ =	shalt  }
0x55: {  	_ =	shalt  }
0x56: {  	_ =	shalt  }
0x57: {  	_ =	shalt  }
0x58: {  	_ =	shalt  }
0x59: {  	_ =	shalt  }
0x5a: {  	_ =	shalt  }
0x5b: {  	_ =	shalt  }
0x5c: {  	_ =	shalt  }
0x5d: {  	_ =	shalt  }
0x5e: {  	_ =	shalt  }
0x5f: {  	_ =	shalt  }
0x60: {  	_ =	shalt  }
0x61: {  	_ =	shalt  }
0x62: {  	_ =	shalt  }
0x63: {  	_ =	shalt  }
0x64: {  	_ =	shalt  }
0x65: {  	_ =	shalt  }
0x66: {  	_ =	shalt  }
0x67: {  	_ =	shalt  }
0x68: {  	_ =	shalt  }
0x69: {  	_ =	shalt  }
0x6a: {  	_ =	shalt  }
0x6b: {  	_ =	shalt  }
0x6c: {  	_ =	shalt  }
0x6d: {  	_ =	shalt  }
0x6e: {  	_ =	shalt  }
0x6f: {  	_ =	shalt  }
0x70: {  	_ =	shalt  }
0x71: {  	_ =	shalt  }
0x72: {  	_ =	shalt  }
0x73: {  	_ =	shalt  }
0x74: {  	_ =	shalt  }
0x75: {  	_ =	shalt  }
0x76: {  	_ =	shalt  }
0x77: {  	_ =	shalt  }
0x78: {  	_ =	shalt  }
0x79: {  	_ =	shalt  }
0x7a: {  	_ =	shalt  }
0x7b: {  	_ =	shalt  }
0x7c: {  	_ =	shalt  }
0x7d: {  	_ =	shalt  }
0x7e: {  	_ =	shalt  }
0x7f: {  	_ =	shalt  }
0x80: {  	_ =	shalt  }
0x81: {  	_ =	shalt  }
0x82: {  	_ =	shalt  }
0x83: {  	_ =	shalt  }
0x84: {  	_ =	shalt  }
0x85: {  	_ =	shalt  }
0x86: {  	_ =	shalt  }
0x87: {  	_ =	shalt  }
.Lfunc_end0:
.L_simem_size_0:
called_computation_lowered:
.L_overlay_start_0:
0x88: {  	s2 =	sld [smem:$0x3FD9]  }
0x89: {  	s3 =	sld [smem:$0x3FFE];
	_ =	sdelay $0x1  }
0x8a: {  	s1 =	srdreg.scid  }
0x8b: {  	s0 =	sand.u32 $0x1, s1  }
0x8c: {  	s17 =	sshll.u32 s0, $0xA;
	s2 =	sadd.s32 s3, s2  }
0x8d: {  	s2 =	sadd.s32 s2, s17  }
0x8e: {  	[smem:$0x3FC3] =	sst s2  }
0x8f: {  	_ = 	snop  }
0x90: {  	s2 =	sld [smem:$0x3FD0];
	(tm) =	ssettm $0x1  }
0x91: {  	s18 =	sld [smem:$0x3FFB];
	_ =	sdelay $0x3  }
0x92: {  	_ =	strace s18  }
0x93: {  	s3 =	sld [smem:$0x3FFC];
	_ =	sdelay $0x3  }
0x94: {  	_ =	strace s3  }
0x95: {  	s3 =	sld [smem:$0x3FFD];
	_ =	sdelay $0x3  }
0x96: {  	_ =	strace s3  }
0x97: {  	_ =	strace $0x8FFFFFFF  }
0x98: {  	s19 =	sld [smem:$0x3FDB];
	_ =	sdelay $0x1  }
0x99: {  	s4 =	simm.s32 $_scs_section_size  }
0x9a: {  	s5 =	simm.s32 $_size__tile_overlayer_lowered;
	s6 =	simm.s32 $_tile_overlayer_lowered  }
0x9b: {  	s22 =	simm.s32 $0x1BFF;
	s21 =	sshll.u32 s6, $0x1;
	s3 =	sadd.s32 s4, s19  }
0x9c: {  	s7 =	simm.s32 $0x0;
	s20 =	sshll.u32 s5, $0x1;
	s5 =	sadd.s32 s21, s3  }
0x9d: {  	[timem:s7], [sflag:s22] =	dma.local [hbm:s5], s20  }
0x9e: {  	_ =	swait.ge [sflag:s22], s20  }
0x9f: {  	s4 =	ssub.s32 $0x0, s20;
	[sflag:s22] =	ssyncset.done $0x0  }
0xa0: {  	[sflag:s22] =	ssyncadd.s32 s4;
	_ =	sdelay $0x1  }
0xa1: {  	s23 =	simm.s32 $0x1B8B  }
0xa2: {  	_ =	swait.ge [sflag:s23], $0x1  }
0xa3: {  	[sflag:s23] =	ssyncset.done $0x0  }
0xa4: {  	s25 =	simm.s32 $0x1B8E;
	s24 =	sld [smem:$0x3FFE];
	[sflag:s23] =	ssyncadd.s32 $0xFFFFFFFF  }
0xa5: {  	s26 =	simm.s32 $execute0_lowered;
	[smem:$0x3FD2] =	sst s25  }
0xa6: {  	s5 =	sshll.u32 s26, $0x1;
	_ =	strace $0x80000046;
	[dreg:$0x1] =	wrdreg $0xFFFFFFFF  }
0xa7: {  	s28 =	simm.s32 $_size_execute0_lowered;
	s3 =	sadd.s32 s3, s5;
	[dreg:$0x0] =	wrdreg $0x0  }
0xa8: {  	s5 =	sshll.u32 s28, $0x1;
	[dreg:$0x2] =	wrdreg s3  }
0xa9: {  	[dreg:$0x3] =	wrdreg s5  }
0xaa: {  	[dreg:$0x4] =	wrdreg $0xC0  }
0xab: {  	_ =	task [dreg:s7], $0x5FFFF  }
0xac: {  	[dreg:$0x1] =	wrdreg $0xFFFFFFFF  }
0xad: {  	[dreg:$0x0] =	wrdreg $0x60  }
0xae: {  	[dreg:$0x2] =	wrdreg s24  }
0xaf: {  	[dreg:$0x3] =	wrdreg s2  }
0xb0: {  	[dreg:$0x4] =	wrdreg $0x8C000  }
0xb1: {  	[dreg:$0x5] =	wrdreg $0x1CC000  }
0xb2: {  	[dreg:$0x6] =	wrdreg $0x9  }
0xb3: {  	_ =	task.clear_ibuf [dreg:s7], $0x7FFFF;
	_ =	strace $0x90000046  }
0xb4: {  	s29 =	simm.s32 $0x9;
	_ =	strace $0x80000048  }
0xb5: {  	_ =	swait.ge [sflag:s29], $0x1  }
0xb6: {  	[sflag:s29] =	ssyncadd.s32 $0xFFFFFFFF  }
0xb7: {  	_ =	strace $0x90000048  }
0xb8: {  	_ =	sfence  }
0xb9: {  	s30 =	sld [smem:$0x0];
	_ =	sdelay $0x2  }
0xba: {  	s31 =	sshll.u32 s1, $0xD;
	s1 =	sshrl.u32 s1, $0x2  }
0xbb: {  	s3 =	sand.u32 $0x4000, s31;
	s1 =	sadd.s32 s1, s30  }
0xbc: {  	s0 =	sor.u32 s3, s0;
	s1 =	sshll.u32 s1, $0x11  }
0xbd: {  	s0 =	sor.u32 s1, s0  }
0xbe: {  	s0 =	sadd.s32 $0x8F2B, s0  }
0xbf: {  	[sflag:s0] =	ssyncadd.remote.s32 $0x1  }
0xc0: {  	_ =	sfence.sel $0xFFFF  }
0xc1: {  	[dreg:$0x0] =	wrdreg $0xFFFFFFFF;
	(pc) =	sbr.abs _section_cstart, $3  }
0xc2: {  	[dreg:$0x1] =	wrdreg $0xFFFFFFFF  }
0xc3: {  	_ =	task.clear_ibuf [dreg:s7], $0x2FFFF;
	_ =	strace $0x9FFFFFFF  }
0xc4: {  	(tm) =	ssettm $0x7FFFFFFF  }
0xc5: {  	_ =	shalt  }
tec
execute0_lowered:
.L_overlay_start_1:
0x0: {  	(tag) =	ssettag $0x1  }
0x1: {  	s0 =	rddreg [dreg:$0x0]  }
0x2: {  	s20 =	rddreg [dreg:$0x1]  }
0x3: {  	s21 =	rddreg [dreg:$0x2]  }
0x4: {  	s3 =	rddreg [dreg:$0x3]  }
0x5: {  	s5 =	simm.s32 $0x0;
	s4 =	srdreg.scid;
	s1 =	stileid.u32  }
0x6: {  	s29 =	simm.s32 $0x380;
	s30 =	simm.s32 $0x680;
	s31 =	simm.s32 $0x980  }
0x7: {  	[smem:$0x7FF] =	sst s5;
	s4 =	sand.u32 $0x1, s4;
	s6 =	sadd.s32 $0xAA00, s0  }
0x8: {  	s7 =	smul.u32 $0x14000, s1;
	s8 =	sadd.s32 $0x5A00, s0;
	s9 =	sadd.s32 $0xA00, s0  }
0x9: {  	s11 =	smul.u32 $0x280, s1;
	s10 =	sadd.s32 $0x14C00, s0;
	s15 =	sadd.s32 $0x14A00, s0  }
0xa: {  	s13 =	smul.u32 $0x140000, s4;
	_ =	strace $0x80000047;
	[dreg:$0xc] =	wrdreg s10  }
0xb: {  	s24 =	sshll.u32 s1, $0x6;
	s14 =	smul.u32 $0x2800, s4;
	[dreg:$0xd] =	wrdreg s15  }
0xc: {  	s16 =	sshll.u32 s4, $0x4;
	s12 =	ssub.s32 $0x2, s4;
	[dreg:$0x7] =	wrdreg s29  }
0xd: {  	s15 =	smul.u32 $0x50, s1;
	p0 =	sne.s32 s4, $0x0;
	[dreg:$0x8] =	wrdreg s30  }
0xe: {  	p1 =	seq.s32 s4, $0x0;
	[dreg:$0x9] =	wrdreg s31;
	s10 =	sor.u32 s1, s16  }
0xf: {  	s17 =	sshrl.u32 s12, $0x1;
	s16 =	smul.u32 $0x500, s4;
	s25 =	sadd.s32 s11, s3  }
0x10: {  	s4 =	simm.s32 $0x6;
	s5 =	sadd.s32 s7, s13;
	s13 =	smul.u32 $0x500, s10  }
0x11: {  	s7 =	sadd.s32 s11, s14;
	s14 =	smul.u32 $0x500, s1;
	s12 =	ssub.s32 s12, s17  }
0x12: {  	s17 =	smul.u32 $0x50000, s1;
	[dreg:$0x14] =	wrdreg s25;
	s10 =	simm.s32 $0x200  }
0x13: {  	s11 =	simm.s32 $0x3;
	s5 =	sshrl.u32 s5, $0x3;
	s7 =	sshrl.u32 s7, $0x3  }
0x14: {  	s22 =	sadd.s32 s15, s16;
	s28 =	smax.u32 s12, $0x1;
	s5 =	sadd.s32 s5, s0  }
0x15: {  	s7 =	sadd.s32 s7, s0;
	s18 =	sadd.s32 s6, s13;
	[dreg:$0x17] =	wrdreg s28  }
0x16: {  	s2 =	sadd.s32 s8, s14;
	s0 =	sadd.s32 $0xAA40, s0;
	[dreg:$0xe] =	wrdreg s18  }
0x17: {  	s12 =	simm.s32 $0x800;
	[dreg:$0xb] =	wrdreg s2;
	s19 =	sadd.s32 s13, s0  }
0x18: {  	s16 =	simm.s32 $0x80;
	s5 =	sadd.s32 $0x17E00, s5;
	[dreg:$0xf] =	wrdreg s19  }
0x19: {  	s23 =	sshrl.u32 s17, $0x2;
	s26 =	sadd.s32 $0x17400, s7;
	[dreg:$0x15] =	wrdreg s5  }
0x1a: {  	s18 =	sadd.s32 s9, s14;
	s14 =	sor.u32 $0x40, s14;
	[dreg:$0x16] =	wrdreg s26  }
0x1b: {  	s13 =	simm.s32 $0x4C00;
	s8 =	sadd.s32 s8, s14;
	[dreg:$0xa] =	wrdreg s18  }
0x1c: {  	s9 =	sadd.s32 s9, s14;
	s14 =	simm.s32 $0xC00;
	[dreg:$0x10] =	wrdreg s8  }
0x1d: {  	[dreg:$0x11] =	wrdreg s9;
	s8 =	sshll.u32 s22, $0x4;
	s9 =	sadd.s32 s23, s21  }
0x1e: {  	s22 =	simm.s32 $0x2;
	[dreg:$0x12] =	wrdreg s9;
	s0 =	sadd.s32 s8, s0  }
0x1f: {  	s6 =	sadd.s32 s8, s6;
	s9 =	sor.u32 $0x1C07, s24;
	[dreg:$0x6] =	wrdreg s0  }
0x20: {  	s8 =	simm.s32 $0x7;
	s6 =	sadd.s32 $0x80, s6;
	[dreg:$0x13] =	wrdreg s9  }
0x21: {  	s0 =	simm.s32 $0x1;
	[dreg:$0x5] =	wrdreg s6;
	s6 =	simm.s32 $0x0  }
.LBB2_1:
0x22: {  	[dreg:$0x18] =	wrdreg s6  }
0x23: {  	s24 =	rddreg [dreg:$0xe]  }
0x24: {  	s19 =	rddreg [dreg:$0xb]  }
0x25: {  	s5 =	simm.s32 $0x0;
	s26 =	rddreg [dreg:$0xf]  }
0x26: {  	[tilespmem:s5], [sflag:$0x5] =	stream.linear.gather [hbm4b:s24+s5], $0x200, $0x38;
	[tilespmem:$0x1CE80] =	vst v63  }
0x27: {  	s28 =	rddreg [dreg:$0x10]  }
0x28: {  	[tilespmem:s10], [sflag:$0x5] =	stream.linear.gather [hbm4b:s19+s5], $0x200, $0x38;
	[tilespmem:$0x1CE80] =	vst v63  }
0x29: {  	s25 =	simm.s32 $0x400;
	s29 =	rddreg [dreg:$0x11]  }
0x2a: {  	[tilespmem:s25], [sflag:$0x5] =	stream.linear.gather [hbm4b:s18+s5], $0x200, $0x38;
	[tilespmem:$0x1CE80] =	vst v63  }
0x2b: {  	s1 =	simm.s32 $0x600;
	s30 =	rddreg [dreg:$0x12]  }
0x2c: {  	[tilespmem:s1], [sflag:$0x6] =	stream.linear.gather [hbm4b:s26+s5], $0x200, $0x38;
	[tilespmem:$0x1CE80] =	vst v63  }
0x2d: {  	s2 =	rddreg [dreg:$0xc];
	s31 =	sshrl.u32 s30, $0x3  }
0x2e: {  	[tilespmem:s12], [sflag:$0x6] =	stream.linear.gather [hbm4b:s28+s5], $0x200, $0x38;
	[tilespmem:$0x1CE80] =	vst v63  }
0x2f: {  	s7 =	simm.s32 $0xA00;
	[dreg:$0x19] =	wrdreg s31  }
0x30: {  	[tilespmem:s7], [sflag:$0x6] =	stream.linear.gather [hbm4b:s29+s5], $0x200, $0x38;
	[tilespmem:$0x1CE80] =	vst v63  }
0x31: {  	[spmem:s31], [sflag:s9] =	dma.local [hbm:s2], $0x2800  }
0x32: {  	_ =	swait.ge [sflag:s8], $0x2800  }
0x33: {  	s7 =	rddreg [dreg:$0x14]  }
0x34: {  	[sflag:s8] =	ssyncset.done $0x0;
	s17 =	rddreg [dreg:$0xd];
	s15 =	sshrl.u32 s7, $0x3  }
0x35: {  	[sflag:s8] =	ssyncadd.s32 $0xFFFFD800;
	[dreg:$0x1a] =	wrdreg s15  }
0x36: {  	[spmem:s15], [sflag:s9] =	dma.local [hbm:s17], $0x50  }
0x37: {  	_ =	swait.ge [sflag:s8], $0x50  }
0x38: {  	[sflag:s8] =	ssyncset.done $0x0  }
0x39: {  	s23 =	simm.s32 $0x5;
	[sflag:s8] =	ssyncadd.s32 $0xFFFFFFB0  }
0x3a: {  	_ =	swait.ge [sflag:s23], $0x200  }
0x3b: {  	[sflag:s23] =	ssyncset.done $0x0  }
0x3c: {  	[sflag:s23] =	ssyncadd.s32 $0xFFFFFE00  }
0x3d: {  	_ =	swait.ge [sflag:s23], $0x200  }
0x3e: {  	[sflag:s23] =	ssyncset.done $0x0  }
0x3f: {  	[sflag:s23] =	ssyncadd.s32 $0xFFFFFE00  }
0x40: {  	_ =	swait.ge [sflag:s23], $0x200  }
0x41: {  	[sflag:s23] =	ssyncset.done $0x0  }
0x42: {  	[sflag:s23] =	ssyncadd.s32 $0xFFFFFE00  }
0x43: {  	[bflag:$0x0] =	sbarrier.arrive $0xFFFF  }
0x44: {  	[tilespmem:s14], [sflag:$0x1] =	stream.indirect.gather [hbm4b:s20+s16], $0x80, s5, s16, $0xb8;
	[tilespmem:$0x1CE80] =	vst v63  }
0x45: {  	_ =	swait.ge [sflag:s0], $0x4000  }
0x46: {  	p2 =	por $0x1, $0x1;
	[sflag:s0] =	ssyncset.done $0x0  }
0x47: {  	s5 =	simm.s32 @!p2 $0x4;
	[sflag:s0] =	ssyncadd.s32 $0xFFFFC000  }
0x48: {  	[spmem:s21] =	stream.indirect.scatter.add.f32 [tilespmem:s14], [sflag:$0x3], $0x80, s10, s16, $0xb8;
	[tilespmem:$0x1CE80] =	vst v63  }
0x49: {  	s7 =	sadd.s32 @!p2 $0x0, s19;
	_ =	swait.ge @!p2 [sflag:s5], $0x4000  }
0x4a: {  	s8 =	simm.s32 @!p2 $0x600;
	s6 =	rddreg [dreg:$0x6];
	[sflag:s5] =	ssyncset.done @!p2 $0x0  }
0x4b: {  	[sflag:s5] =	ssyncadd.s32 @!p2 $0xFFFFC000;
	s5 =	simm.s32 @!p2 $0x0;
	s6 =	sadd.s32 @!p2 $0x0, s6  }
0x4c: {  	[tilespmem:s8], [sflag:$0x6] =	stream.linear.gather @!p2 [hbm4b:s6+s5], $0x200, $0x38;
	[tilespmem:$0x1CE80] =	vst v63  }
0x4d: {  	s7 =	sadd.s32 @!p2 $0x40, s7;
	s6 =	sadd.s32 @!p2 $0x0, s18;
	s8 =	simm.s32 @!p2 $0x800  }
0x4e: {  	[tilespmem:s8], [sflag:$0x6] =	stream.linear.gather @!p2 [hbm4b:s7+s5], $0x200, $0x38;
	[tilespmem:$0x1CE80] =	vst v63  }
0x4f: {  	s6 =	sadd.s32 @!p2 $0x40, s6;
	s7 =	simm.s32 @!p2 $0xA00  }
0x50: {  	[tilespmem:s7], [sflag:$0x6] =	stream.linear.gather @!p2 [hbm4b:s6+s5], $0x200, $0x38;
	[tilespmem:$0x1CE80] =	vst v63  }
0x51: {  	s16 =	simm.s32 @p0 $0x2;
	s8 =	simm.s32 $0x80  }
0x52: {  	[tilespmem:s13], [sflag:$0x2] =	stream.indirect.gather [hbm4b:s20+s8], $0x80, s8, s8, $0xb8;
	[tilespmem:$0x1CE80] =	vst v63  }
0x53: {  	_ =	swait.ge @p0 [sflag:s16], $0x4000  }
0x54: {  	s2 =	simm.s32 @p0 $0x4C00;
	s5 =	simm.s32 @p0 $0x280;
	[sflag:s16] =	ssyncset.done @p0 $0x0  }
0x55: {  	s7 =	simm.s32 @p0 $0x3;
	s13 =	simm.s32 @p0 $0x80;
	[sflag:s16] =	ssyncadd.s32 @p0 $0xFFFFC000  }
0x56: {  	[spmem:s21] =	stream.indirect.scatter.add.f32 @p0 [tilespmem:s2], [sflag:$0x4], $0x80, s5, s13, $0xb8;
	[tilespmem:$0x1CE80] =	vst v63  }
0x57: {  	_ =	swait.ge @p0 [sflag:s7], $0x4000  }
0x58: {  	[sflag:s7] =	ssyncset.done @p0 $0x0  }
0x59: {  	s6 =	simm.s32 @p0 $0x100;
	s2 =	simm.s32 @p0 $0xC00;
	[sflag:s7] =	ssyncadd.s32 @p0 $0xFFFFC000  }
0x5a: {  	[tilespmem:s2], [sflag:$0x1] =	stream.indirect.gather @p0 [hbm4b:s20+s13], $0x80, s6, s13, $0xb8;
	[tilespmem:$0x1CE80] =	vst v63  }
0x5b: {  	s28 =	simm.s32 @p0 $0x8;
	s6 =	simm.s32 @p0 $0x480  }
0x5c: {  	[spmem:s3] =	stream.indirect.scatter.add.f32 @p0 [tilespmem:s6], [sflag:$0x8], $0x1, s5, s13, $0xb8;
	[tilespmem:$0x1CE80] =	vst v63  }
0x5d: {  	_ =	swait.ge @p0 [sflag:s28], $0x80  }
0x5e: {  	[sflag:s28] =	ssyncset.done @p0 $0x0  }
0x5f: {  	s15 =	simm.s32 @p0 $0x1;
	[sflag:s28] =	ssyncadd.s32 @p0 $0xFFFFFF80  }
0x60: {  	_ =	swait.ge @p0 [sflag:s15], $0x4000  }
0x61: {  	s30 =	simm.s32 @p0 $0xC00;
	[sflag:s15] =	ssyncset.done @p0 $0x0  }
0x62: {  	s5 =	simm.s32 @p0 $0x300;
	s3 =	simm.s32 @p0 $0x4;
	[sflag:s15] =	ssyncadd.s32 @p0 $0xFFFFC000  }
0x63: {  	[spmem:s21] =	stream.indirect.scatter.add.f32 @p0 [tilespmem:s30], [sflag:$0x3], $0x80, s5, s13, $0xb8;
	[tilespmem:$0x1CE80] =	vst v63  }
0x64: {  	_ =	swait.ge @p0 [sflag:s3], $0x4000  }
0x65: {  	s29 =	simm.s32 @!p0 $0x8;
	s17 =	simm.s32 @p0 $0x4C00;
	[sflag:s3] =	ssyncset.done @p0 $0x0  }
0x66: {  	s9 =	simm.s32 @!p0 $0x400;
	s5 =	simm.s32 @p0 $0x180;
	[sflag:s3] =	ssyncadd.s32 @p0 $0xFFFFC000  }
0x67: {  	[tilespmem:s17], [sflag:$0x2] =	stream.indirect.gather @p0 [hbm4b:s20+s13], $0x80, s5, s13, $0xb8;
	[tilespmem:$0x1CE80] =	vst v63  }
0x68: {  	s6 =	simm.s32 @!p0 $0x80;
	s5 =	simm.s32 @!p0 $0x200;
	s2 =	rddreg [dreg:$0x3]  }
0x69: {  	[spmem:s2] =	stream.indirect.scatter.add.f32 @!p0 [tilespmem:s9], [sflag:$0x8], $0x1, s5, s6, $0xb8;
	[tilespmem:$0x1CE80] =	vst v63  }
0x6a: {  	_ =	swait.ge @!p0 [sflag:s29], $0x80  }
0x6b: {  	[sflag:s29] =	ssyncset.done @!p0 $0x0  }
0x6c: {  	s5 =	simm.s32 @!p0 $0x2;
	[sflag:s29] =	ssyncadd.s32 @!p0 $0xFFFFFF80  }
0x6d: {  	_ =	swait.ge @!p0 [sflag:s5], $0x4000  }
0x6e: {  	s26 =	simm.s32 @!p0 $0x3;
	s9 =	simm.s32 @!p0 $0x280;
	[sflag:s5] =	ssyncset.done @!p0 $0x0  }
0x6f: {  	s2 =	smov.u32 s20;
	s20 =	simm.s32 @!p0 $0x4C00;
	[sflag:s5] =	ssyncadd.s32 @!p0 $0xFFFFC000  }
0x70: {  	[spmem:s21] =	stream.indirect.scatter.add.f32 @!p0 [tilespmem:s20], [sflag:$0x4], $0x80, s9, s6, $0xb8;
	[tilespmem:$0x1CE80] =	vst v63  }
0x71: {  	_ =	swait.ge @!p0 [sflag:s26], $0x4000  }
0x72: {  	s31 =	simm.s32 @!p0 $0x1;
	[sflag:s26] =	ssyncset.done @!p0 $0x0  }
0x73: {  	s17 =	simm.s32 @!p0 $0xC00;
	s9 =	simm.s32 @!p0 $0x100;
	[sflag:s26] =	ssyncadd.s32 @!p0 $0xFFFFC000  }
0x74: {  	[tilespmem:s17], [sflag:$0x1] =	stream.indirect.gather @!p0 [hbm4b:s2+s6], $0x80, s9, s6, $0xb8;
	[tilespmem:$0x1CE80] =	vst v63  }
0x75: {  	_ =	swait.ge @!p0 [sflag:s31], $0x4000  }
0x76: {  	[sflag:s31] =	ssyncset.done @!p0 $0x0  }
0x77: {  	s9 =	simm.s32 @!p0 $0x300;
	[sflag:s31] =	ssyncadd.s32 @!p0 $0xFFFFC000  }
0x78: {  	[spmem:s21] =	stream.indirect.scatter.add.f32 @!p0 [tilespmem:s17], [sflag:$0x3], $0x80, s9, s6, $0xb8;
	[tilespmem:$0x1CE80] =	vst v63  }
0x79: {  	s25 =	smov.u32 s21;
	s21 =	simm.s32 @!p0 $0x4  }
0x7a: {  	_ =	swait.ge @!p0 [sflag:s21], $0x4000  }
0x7b: {  	[sflag:s21] =	ssyncset.done @!p0 $0x0  }
0x7c: {  	s24 =	simm.s32 @!p0 $0x180;
	[sflag:s21] =	ssyncadd.s32 @!p0 $0xFFFFC000  }
0x7d: {  	[tilespmem:s20], [sflag:$0x2] =	stream.indirect.gather @!p0 [hbm4b:s2+s6], $0x80, s24, s6, $0xb8;
	[tilespmem:$0x1CE80] =	vst v63  }
0x7e: {  	s24 =	simm.s32 @!p0 $0x500;
	s23 =	rddreg [dreg:$0x3]  }
0x7f: {  	[spmem:s23] =	stream.indirect.scatter.add.f32 @!p0 [tilespmem:s24], [sflag:$0x8], $0x1, s9, s6, $0xb8;
	[tilespmem:$0x1CE80] =	vst v63  }
0x80: {  	_ =	swait.ge @!p0 [sflag:s29], $0x80  }
0x81: {  	[sflag:s29] =	ssyncset.done @!p0 $0x0  }
0x82: {  	[sflag:s29] =	ssyncadd.s32 @!p0 $0xFFFFFF80  }
0x83: {  	_ =	swait.ge [sflag:s22], $0x4000  }
0x84: {  	[sflag:s22] =	ssyncset.done $0x0  }
0x85: {  	s23 =	simm.s32 $0x4C00;
	s24 =	rddreg [dreg:$0x7];
	[sflag:s22] =	ssyncadd.s32 $0xFFFFC000  }
0x86: {  	[spmem:s25] =	stream.indirect.scatter.add.f32 [tilespmem:s23], [sflag:$0x4], $0x80, s24, s8, $0xb8;
	[tilespmem:$0x1CE80] =	vst v63  }
0x87: {  	_ =	swait.ge [sflag:s11], $0x4000  }
0x88: {  	[sflag:s11] =	ssyncset.done $0x0  }
0x89: {  	[sflag:s11] =	ssyncadd.s32 $0xFFFFC000  }
0x8a: {  	_ =	swait.ge [sflag:s4], $0x200  }
0x8b: {  	[sflag:s4] =	ssyncset.done $0x0  }
0x8c: {  	[sflag:s4] =	ssyncadd.s32 $0xFFFFFE00  }
0x8d: {  	_ =	swait.ge [sflag:s4], $0x200  }
0x8e: {  	[sflag:s4] =	ssyncset.done $0x0  }
0x8f: {  	[sflag:s4] =	ssyncadd.s32 $0xFFFFFE00  }
0x90: {  	_ =	swait.ge [sflag:s4], $0x200  }
0x91: {  	[sflag:s4] =	ssyncset.done $0x0  }
0x92: {  	s9 =	simm.s32 @!p1 $0x380;
	[sflag:s4] =	ssyncadd.s32 $0xFFFFFE00  }
0x93: {  	[tilespmem:s14], [sflag:$0x1] =	stream.indirect.gather [hbm4b:s2+s8], $0x80, s1, s8, $0xb8;
	[tilespmem:$0x1CE80] =	vst v63  }
0x94: {  	s11 =	simm.s32 @!p1 $0x80;
	s4 =	simm.s32 @!p1 $0x580;
	s1 =	rddreg [dreg:$0x3]  }
0x95: {  	[spmem:s1] =	stream.indirect.scatter.add.f32 @!p1 [tilespmem:s4], [sflag:$0x8], $0x1, s9, s11, $0xb8;
	[tilespmem:$0x1CE80] =	vst v63  }
0x96: {  	s4 =	simm.s32 @!p1 $0x8  }
0x97: {  	_ =	swait.ge @!p1 [sflag:s4], $0x80  }
0x98: {  	[sflag:s4] =	ssyncset.done @!p1 $0x0  }
0x99: {  	[sflag:s4] =	ssyncadd.s32 @!p1 $0xFFFFFF80  }
0x9a: {  	_ =	swait.ge [sflag:s0], $0x4000  }
0x9b: {  	[sflag:s0] =	ssyncset.done $0x0  }
0x9c: {  	[sflag:s0] =	ssyncadd.s32 $0xFFFFC000  }
0x9d: {  	[spmem:s25] =	stream.indirect.scatter.add.f32 [tilespmem:s14], [sflag:$0x3], $0x80, s12, s8, $0xb8;
	[tilespmem:$0x1CE80] =	vst v63  }
0x9e: {  	s14 =	simm.s32 $0x4  }
0x9f: {  	_ =	swait.ge [sflag:s14], $0x4000  }
0xa0: {  	p2 =	por $0x0, $0x0;
	s9 =	rddreg [dreg:$0x5];
	[sflag:s14] =	ssyncset.done $0x0  }
0xa1: {  	[sflag:s14] =	ssyncadd.s32 $0xFFFFC000;
	s14 =	sadd.s32 @!p2 $0x0, s9;
	s9 =	simm.s32 @!p2 $0x0  }
0xa2: {  	[tilespmem:s9], [sflag:$0x5] =	stream.linear.gather @!p2 [hbm4b:s14+s9], $0x200, $0x38;
	[tilespmem:$0x1CE80] =	vst v63  }
0xa3: {  	s14 =	sadd.s32 @!p2 $0x0, s19  }
0xa4: {  	s24 =	simm.s32 @!p2 $0x200;
	s14 =	sadd.s32 @!p2 $0x80, s14  }
0xa5: {  	[tilespmem:s24], [sflag:$0x5] =	stream.linear.gather @!p2 [hbm4b:s14+s9], $0x200, $0x38;
	[tilespmem:$0x1CE80] =	vst v63  }
0xa6: {  	s14 =	sadd.s32 @!p2 $0x0, s18  }
0xa7: {  	s24 =	simm.s32 @!p2 $0x400;
	s14 =	sadd.s32 @!p2 $0x80, s14  }
0xa8: {  	[tilespmem:s24], [sflag:$0x5] =	stream.linear.gather @!p2 [hbm4b:s14+s9], $0x200, $0x38;
	[tilespmem:$0x1CE80] =	vst v63  }
0xa9: {  	s19 =	rddreg [dreg:$0x8]  }
0xaa: {  	[tilespmem:s23], [sflag:$0x2] =	stream.indirect.gather [hbm4b:s2+s8], $0x80, s19, s8, $0xb8;
	[tilespmem:$0x1CE80] =	vst v63  }
0xab: {  	_ =	swait.ge @p0 [sflag:s16], $0x4000  }
0xac: {  	[sflag:s16] =	ssyncset.done @p0 $0x0  }
0xad: {  	s12 =	simm.s32 @p0 $0x4C00;
	s8 =	simm.s32 @p0 $0x880;
	[sflag:s16] =	ssyncadd.s32 @p0 $0xFFFFC000  }
0xae: {  	[spmem:s25] =	stream.indirect.scatter.add.f32 @p0 [tilespmem:s12], [sflag:$0x4], $0x80, s8, s13, $0xb8;
	[tilespmem:$0x1CE80] =	vst v63  }
0xaf: {  	_ =	swait.ge @p0 [sflag:s7], $0x4000  }
0xb0: {  	[sflag:s7] =	ssyncset.done @p0 $0x0  }
0xb1: {  	s1 =	simm.s32 @p0 $0x700;
	[sflag:s7] =	ssyncadd.s32 @p0 $0xFFFFC000  }
0xb2: {  	[tilespmem:s30], [sflag:$0x1] =	stream.indirect.gather @p0 [hbm4b:s2+s13], $0x80, s1, s13, $0xb8;
	[tilespmem:$0x1CE80] =	vst v63  }
0xb3: {  	s7 =	simm.s32 @p0 $0xA80;
	s1 =	rddreg [dreg:$0x3]  }
0xb4: {  	[spmem:s1] =	stream.indirect.scatter.add.f32 @p0 [tilespmem:s7], [sflag:$0x8], $0x1, s8, s13, $0xb8;
	[tilespmem:$0x1CE80] =	vst v63  }
0xb5: {  	_ =	swait.ge @p0 [sflag:s28], $0x80  }
0xb6: {  	[sflag:s28] =	ssyncset.done @p0 $0x0  }
0xb7: {  	[sflag:s28] =	ssyncadd.s32 @p0 $0xFFFFFF80  }
0xb8: {  	_ =	swait.ge @p0 [sflag:s15], $0x4000  }
0xb9: {  	[sflag:s15] =	ssyncset.done @p0 $0x0  }
0xba: {  	s1 =	simm.s32 @p0 $0x900;
	[sflag:s15] =	ssyncadd.s32 @p0 $0xFFFFC000  }
0xbb: {  	[spmem:s25] =	stream.indirect.scatter.add.f32 @p0 [tilespmem:s30], [sflag:$0x3], $0x80, s1, s13, $0xb8;
	[tilespmem:$0x1CE80] =	vst v63  }
0xbc: {  	_ =	swait.ge @p0 [sflag:s3], $0x4000  }
0xbd: {  	[sflag:s3] =	ssyncset.done @p0 $0x0  }
0xbe: {  	s1 =	simm.s32 @p0 $0x780;
	[sflag:s3] =	ssyncadd.s32 @p0 $0xFFFFC000  }
0xbf: {  	[tilespmem:s12], [sflag:$0x2] =	stream.indirect.gather @p0 [hbm4b:s2+s13], $0x80, s1, s13, $0xb8;
	[tilespmem:$0x1CE80] =	vst v63  }
0xc0: {  	s7 =	simm.s32 @!p0 $0xA00;
	s3 =	rddreg [dreg:$0x3];
	s1 =	simm.s32 @!p0 $0x800  }
0xc1: {  	[spmem:s3] =	stream.indirect.scatter.add.f32 @!p0 [tilespmem:s7], [sflag:$0x8], $0x1, s1, s6, $0xb8;
	[tilespmem:$0x1CE80] =	vst v63  }
0xc2: {  	_ =	swait.ge @!p0 [sflag:s29], $0x80  }
0xc3: {  	[sflag:s29] =	ssyncset.done @!p0 $0x0  }
0xc4: {  	[sflag:s29] =	ssyncadd.s32 @!p0 $0xFFFFFF80  }
0xc5: {  	_ =	swait.ge @!p0 [sflag:s5], $0x4000  }
0xc6: {  	[sflag:s5] =	ssyncset.done @!p0 $0x0  }
0xc7: {  	s1 =	simm.s32 @!p0 $0x880;
	[sflag:s5] =	ssyncadd.s32 @!p0 $0xFFFFC000  }
0xc8: {  	[spmem:s25] =	stream.indirect.scatter.add.f32 @!p0 [tilespmem:s20], [sflag:$0x4], $0x80, s1, s6, $0xb8;
	[tilespmem:$0x1CE80] =	vst v63  }
0xc9: {  	_ =	swait.ge @!p0 [sflag:s26], $0x4000  }
0xca: {  	[sflag:s26] =	ssyncset.done @!p0 $0x0  }
0xcb: {  	s1 =	simm.s32 @!p0 $0x700;
	[sflag:s26] =	ssyncadd.s32 @!p0 $0xFFFFC000  }
0xcc: {  	[tilespmem:s17], [sflag:$0x1] =	stream.indirect.gather @!p0 [hbm4b:s2+s6], $0x80, s1, s6, $0xb8;
	[tilespmem:$0x1CE80] =	vst v63  }
0xcd: {  	_ =	swait.ge @!p0 [sflag:s31], $0x4000  }
0xce: {  	[sflag:s31] =	ssyncset.done @!p0 $0x0  }
0xcf: {  	s1 =	simm.s32 @!p0 $0x900;
	[sflag:s31] =	ssyncadd.s32 @!p0 $0xFFFFC000  }
0xd0: {  	[spmem:s25] =	stream.indirect.scatter.add.f32 @!p0 [tilespmem:s17], [sflag:$0x3], $0x80, s1, s6, $0xb8;
	[tilespmem:$0x1CE80] =	vst v63  }
0xd1: {  	_ =	swait.ge @!p0 [sflag:s21], $0x4000  }
0xd2: {  	[sflag:s21] =	ssyncset.done @!p0 $0x0  }
0xd3: {  	s5 =	simm.s32 @!p0 $0x780;
	[sflag:s21] =	ssyncadd.s32 @!p0 $0xFFFFC000  }
0xd4: {  	[tilespmem:s20], [sflag:$0x2] =	stream.indirect.gather @!p0 [hbm4b:s2+s6], $0x80, s5, s6, $0xb8;
	[tilespmem:$0x1CE80] =	vst v63  }
0xd5: {  	s5 =	simm.s32 @!p0 $0xB00  }
0xd6: {  	[spmem:s3] =	stream.indirect.scatter.add.f32 @!p0 [tilespmem:s5], [sflag:$0x8], $0x1, s1, s6, $0xb8;
	[tilespmem:$0x1CE80] =	vst v63  }
0xd7: {  	_ =	swait.ge @!p0 [sflag:s29], $0x80  }
0xd8: {  	[sflag:s29] =	ssyncset.done @!p0 $0x0  }
0xd9: {  	[sflag:s29] =	ssyncadd.s32 @!p0 $0xFFFFFF80  }
0xda: {  	_ =	swait.ge [sflag:s22], $0x4000  }
0xdb: {  	s0 =	simm.s32 $0x3;
	s24 =	simm.s32 $0x4C00;
	[sflag:s22] =	ssyncset.done $0x0  }
0xdc: {  	s16 =	simm.s32 $0x80;
	s31 =	rddreg [dreg:$0x9];
	[sflag:s22] =	ssyncadd.s32 $0xFFFFC000  }
0xdd: {  	[spmem:s25] =	stream.indirect.scatter.add.f32 [tilespmem:s24], [sflag:$0x4], $0x80, s31, s16, $0xb8;
	[tilespmem:$0x1CE80] =	vst v63  }
0xde: {  	_ =	swait.ge [sflag:s0], $0x4000  }
0xdf: {  	[sflag:s0] =	ssyncset.done $0x0  }
0xe0: {  	s14 =	simm.s32 @!p2 $0x5;
	[sflag:s0] =	ssyncadd.s32 $0xFFFFC000  }
0xe1: {  	_ =	swait.ge @!p2 [sflag:s14], $0x200  }
0xe2: {  	[sflag:s14] =	ssyncset.done @!p2 $0x0  }
0xe3: {  	[sflag:s14] =	ssyncadd.s32 @!p2 $0xFFFFFE00  }
0xe4: {  	_ =	swait.ge @!p2 [sflag:s14], $0x200  }
0xe5: {  	[sflag:s14] =	ssyncset.done @!p2 $0x0  }
0xe6: {  	[sflag:s14] =	ssyncadd.s32 @!p2 $0xFFFFFE00  }
0xe7: {  	_ =	swait.ge @!p2 [sflag:s14], $0x200  }
0xe8: {  	[sflag:s14] =	ssyncset.done @!p2 $0x0  }
0xe9: {  	s24 =	simm.s32 @!p2 $0xC00;
	[sflag:s14] =	ssyncadd.s32 @!p2 $0xFFFFFE00;
	s14 =	simm.s32 @!p2 $0x80  }
0xea: {  	[tilespmem:s24], [sflag:$0x1] =	stream.indirect.gather @!p2 [hbm4b:s2+s14], $0x80, s9, s14, $0xb8;
	[tilespmem:$0x1CE80] =	vst v63  }
0xeb: {  	s1 =	simm.s32 @!p1 $0xB80;
	s0 =	simm.s32 @!p1 $0x980  }
0xec: {  	[spmem:s3] =	stream.indirect.scatter.add.f32 @!p1 [tilespmem:s1], [sflag:$0x7], $0x1, s0, s11, $0xb8;
	[tilespmem:$0x1CE80] =	vst v63  }
0xed: {  	s21 =	smov.u32 s25;
	s0 =	simm.s32 @!p1 $0x7  }
0xee: {  	s20 =	smov.u32 s2;
	s24 =	simm.s32 $0x80;
	_ =	swait.ge @!p1 [sflag:s0], $0x80  }
.LBB2_2:
0xef: {  	s0 =	simm.s32 @!p1 $0x7  }
0xf0: {  	[sflag:s0] =	ssyncset.done @!p1 $0x0  }
0xf1: {  	s13 =	simm.s32 $0x1;
	[sflag:s0] =	ssyncadd.s32 @!p1 $0xFFFFFF80  }
0xf2: {  	s14 =	smov.u32 s24;
	_ =	swait.ge [sflag:s13], $0x4000  }
0xf3: {  	s1 =	simm.s32 $0xC00;
	p3 =	seq.s32 s14, $0x0;
	[sflag:s13] =	ssyncset.done $0x0  }
0xf4: {  	s9 =	simm.s32 @!p3 $0x4;
	s19 =	rddreg [dreg:$0xb];
	[sflag:s13] =	ssyncadd.s32 $0xFFFFC000  }
0xf5: {  	[spmem:s21] =	stream.indirect.scatter.add.f32 [tilespmem:s1], [sflag:$0x3], $0x80, s10, s16, $0xb8;
	[tilespmem:$0x1CE80] =	vst v63  }
0xf6: {  	s12 =	simm.s32 @!p3 $0x600;
	s4 =	rddreg [dreg:$0xa];
	_ =	swait.ge @!p3 [sflag:s9], $0x4000  }
0xf7: {  	s10 =	sadd.s32 @!p3 s14, s19;
	s17 =	rddreg [dreg:$0x6];
	[sflag:s9] =	ssyncset.done @!p3 $0x0  }
0xf8: {  	[sflag:s9] =	ssyncadd.s32 @!p3 $0xFFFFC000;
	s9 =	simm.s32 @!p3 $0x0;
	s17 =	sadd.s32 @!p3 s14, s17  }
0xf9: {  	[tilespmem:s12], [sflag:$0x6] =	stream.linear.gather @!p3 [hbm4b:s17+s9], $0x200, $0x38;
	[tilespmem:$0x1CE80] =	vst v63  }
0xfa: {  	s18 =	simm.s32 @!p3 $0x800;
	s31 =	sadd.s32 @!p3 s14, s4;
	s10 =	sadd.s32 @!p3 $0x40, s10  }
0xfb: {  	[tilespmem:s18], [sflag:$0x6] =	stream.linear.gather @!p3 [hbm4b:s10+s9], $0x200, $0x38;
	[tilespmem:$0x1CE80] =	vst v63  }
0xfc: {  	s31 =	sadd.s32 @!p3 $0x40, s31;
	s12 =	simm.s32 @!p3 $0xA00  }
0xfd: {  	[tilespmem:s12], [sflag:$0x6] =	stream.linear.gather @!p3 [hbm4b:s31+s9], $0x200, $0x38;
	[tilespmem:$0x1CE80] =	vst v63  }
0xfe: {  	s9 =	simm.s32 $0x4C00  }
0xff: {  	[tilespmem:s9], [sflag:$0x2] =	stream.indirect.gather [hbm4b:s20+s16], $0x80, s16, s16, $0xb8;
	[tilespmem:$0x1CE80] =	vst v63  }
0x100: {  	s16 =	simm.s32 @p0 $0x2  }
0x101: {  	_ =	swait.ge @p0 [sflag:s16], $0x4000  }
0x102: {  	s7 =	simm.s32 @p0 $0x3;
	s0 =	simm.s32 @p0 $0x4C00;
	[sflag:s16] =	ssyncset.done @p0 $0x0  }
0x103: {  	s31 =	simm.s32 @p0 $0x80;
	s9 =	simm.s32 @p0 $0x280;
	[sflag:s16] =	ssyncadd.s32 @p0 $0xFFFFC000  }
0x104: {  	[spmem:s21] =	stream.indirect.scatter.add.f32 @p0 [tilespmem:s0], [sflag:$0x4], $0x80, s9, s31, $0xb8;
	[tilespmem:$0x1CE80] =	vst v63  }
0x105: {  	_ =	swait.ge @p0 [sflag:s7], $0x4000  }
0x106: {  	s18 =	smov.u32 s19;
	[sflag:s7] =	ssyncset.done @p0 $0x0  }
0x107: {  	s10 =	simm.s32 @p0 $0x100;
	s19 =	simm.s32 @p0 $0xC00;
	[sflag:s7] =	ssyncadd.s32 @p0 $0xFFFFC000  }
0x108: {  	[tilespmem:s19], [sflag:$0x1] =	stream.indirect.gather @p0 [hbm4b:s20+s31], $0x80, s10, s31, $0xb8;
	[tilespmem:$0x1CE80] =	vst v63  }
0x109: {  	s28 =	simm.s32 @p0 $0x8;
	s10 =	simm.s32 @p0 $0x480  }
0x10a: {  	[spmem:s3] =	stream.indirect.scatter.add.f32 @p0 [tilespmem:s10], [sflag:$0x8], $0x1, s9, s31, $0xb8;
	[tilespmem:$0x1CE80] =	vst v63  }
0x10b: {  	_ =	swait.ge @p0 [sflag:s28], $0x80  }
0x10c: {  	[sflag:s28] =	ssyncset.done @p0 $0x0  }
0x10d: {  	s15 =	simm.s32 @p0 $0x1;
	[sflag:s28] =	ssyncadd.s32 @p0 $0xFFFFFF80  }
0x10e: {  	_ =	swait.ge @p0 [sflag:s15], $0x4000  }
0x10f: {  	[sflag:s15] =	ssyncset.done @p0 $0x0  }
0x110: {  	s9 =	simm.s32 @p0 $0x300;
	s3 =	simm.s32 @p0 $0x4;
	[sflag:s15] =	ssyncadd.s32 @p0 $0xFFFFC000  }
0x111: {  	[spmem:s21] =	stream.indirect.scatter.add.f32 @p0 [tilespmem:s19], [sflag:$0x3], $0x80, s9, s31, $0xb8;
	[tilespmem:$0x1CE80] =	vst v63  }
0x112: {  	_ =	swait.ge @p0 [sflag:s3], $0x4000  }
0x113: {  	s22 =	simm.s32 @!p0 $0x80;
	s30 =	simm.s32 @!p0 $0x8;
	[sflag:s3] =	ssyncset.done @p0 $0x0  }
0x114: {  	s0 =	simm.s32 @p0 $0x4C00;
	s9 =	simm.s32 @p0 $0x180;
	[sflag:s3] =	ssyncadd.s32 @p0 $0xFFFFC000  }
0x115: {  	[tilespmem:s0], [sflag:$0x2] =	stream.indirect.gather @p0 [hbm4b:s20+s31], $0x80, s9, s31, $0xb8;
	[tilespmem:$0x1CE80] =	vst v63  }
0x116: {  	s10 =	simm.s32 @!p0 $0x200;
	s9 =	simm.s32 @!p0 $0x400;
	s0 =	rddreg [dreg:$0x3]  }
0x117: {  	[spmem:s0] =	stream.indirect.scatter.add.f32 @!p0 [tilespmem:s9], [sflag:$0x8], $0x1, s10, s22, $0xb8;
	[tilespmem:$0x1CE80] =	vst v63  }
0x118: {  	_ =	swait.ge @!p0 [sflag:s30], $0x80  }
0x119: {  	[sflag:s30] =	ssyncset.done @!p0 $0x0  }
0x11a: {  	s5 =	simm.s32 @!p0 $0x2;
	[sflag:s30] =	ssyncadd.s32 @!p0 $0xFFFFFF80  }
0x11b: {  	_ =	swait.ge @!p0 [sflag:s5], $0x4000  }
0x11c: {  	s26 =	simm.s32 @!p0 $0x3;
	[sflag:s5] =	ssyncset.done @!p0 $0x0  }
0x11d: {  	s20 =	simm.s32 @!p0 $0x4C00;
	s9 =	simm.s32 @!p0 $0x280;
	[sflag:s5] =	ssyncadd.s32 @!p0 $0xFFFFC000  }
0x11e: {  	[spmem:s21] =	stream.indirect.scatter.add.f32 @!p0 [tilespmem:s20], [sflag:$0x4], $0x80, s9, s22, $0xb8;
	[tilespmem:$0x1CE80] =	vst v63  }
0x11f: {  	_ =	swait.ge @!p0 [sflag:s26], $0x4000  }
0x120: {  	s11 =	simm.s32 @!p0 $0x1;
	[sflag:s26] =	ssyncset.done @!p0 $0x0  }
0x121: {  	s0 =	simm.s32 @!p0 $0xC00;
	s9 =	simm.s32 @!p0 $0x100;
	[sflag:s26] =	ssyncadd.s32 @!p0 $0xFFFFC000  }
0x122: {  	[tilespmem:s0], [sflag:$0x1] =	stream.indirect.gather @!p0 [hbm4b:s2+s22], $0x80, s9, s22, $0xb8;
	[tilespmem:$0x1CE80] =	vst v63  }
0x123: {  	_ =	swait.ge @!p0 [sflag:s11], $0x4000  }
0x124: {  	[sflag:s11] =	ssyncset.done @!p0 $0x0  }
0x125: {  	s9 =	simm.s32 @!p0 $0x300;
	[sflag:s11] =	ssyncadd.s32 @!p0 $0xFFFFC000  }
0x126: {  	[spmem:s21] =	stream.indirect.scatter.add.f32 @!p0 [tilespmem:s0], [sflag:$0x3], $0x80, s9, s22, $0xb8;
	[tilespmem:$0x1CE80] =	vst v63  }
0x127: {  	s21 =	simm.s32 @!p0 $0x4  }
0x128: {  	_ =	swait.ge @!p0 [sflag:s21], $0x4000  }
0x129: {  	[sflag:s21] =	ssyncset.done @!p0 $0x0  }
0x12a: {  	s10 =	simm.s32 @!p0 $0x180;
	[sflag:s21] =	ssyncadd.s32 @!p0 $0xFFFFC000  }
0x12b: {  	[tilespmem:s20], [sflag:$0x2] =	stream.indirect.gather @!p0 [hbm4b:s2+s22], $0x80, s10, s22, $0xb8;
	[tilespmem:$0x1CE80] =	vst v63  }
0x12c: {  	s10 =	simm.s32 @!p0 $0x500;
	s17 =	rddreg [dreg:$0x3]  }
0x12d: {  	[spmem:s17] =	stream.indirect.scatter.add.f32 @!p0 [tilespmem:s10], [sflag:$0x8], $0x1, s9, s22, $0xb8;
	[tilespmem:$0x1CE80] =	vst v63  }
0x12e: {  	_ =	swait.ge @!p0 [sflag:s30], $0x80  }
0x12f: {  	[sflag:s30] =	ssyncset.done @!p0 $0x0  }
0x130: {  	s6 =	simm.s32 $0x2;
	[sflag:s30] =	ssyncadd.s32 @!p0 $0xFFFFFF80  }
0x131: {  	_ =	swait.ge [sflag:s6], $0x4000  }
0x132: {  	s8 =	simm.s32 $0x80;
	s29 =	simm.s32 $0x4C00;
	[sflag:s6] =	ssyncset.done $0x0  }
0x133: {  	s23 =	simm.s32 $0x3;
	s10 =	rddreg [dreg:$0x7];
	[sflag:s6] =	ssyncadd.s32 $0xFFFFC000  }
0x134: {  	[spmem:s25] =	stream.indirect.scatter.add.f32 [tilespmem:s29], [sflag:$0x4], $0x80, s10, s8, $0xb8;
	[tilespmem:$0x1CE80] =	vst v63  }
0x135: {  	_ =	swait.ge [sflag:s23], $0x4000  }
0x136: {  	[sflag:s23] =	ssyncset.done $0x0  }
0x137: {  	s17 =	simm.s32 $0x6;
	[sflag:s23] =	ssyncadd.s32 $0xFFFFC000  }
0x138: {  	_ =	swait.ge [sflag:s17], $0x200  }
0x139: {  	[sflag:s17] =	ssyncset.done $0x0  }
0x13a: {  	[sflag:s17] =	ssyncadd.s32 $0xFFFFFE00  }
0x13b: {  	_ =	swait.ge [sflag:s17], $0x200  }
0x13c: {  	[sflag:s17] =	ssyncset.done $0x0  }
0x13d: {  	[sflag:s17] =	ssyncadd.s32 $0xFFFFFE00  }
0x13e: {  	_ =	swait.ge [sflag:s17], $0x200  }
0x13f: {  	[sflag:s17] =	ssyncset.done $0x0  }
0x140: {  	s12 =	simm.s32 $0x600;
	s9 =	simm.s32 @!p1 $0x580;
	[sflag:s17] =	ssyncadd.s32 $0xFFFFFE00  }
0x141: {  	[tilespmem:s1], [sflag:$0x1] =	stream.indirect.gather [hbm4b:s2+s8], $0x80, s12, s8, $0xb8;
	[tilespmem:$0x1CE80] =	vst v63  }
0x142: {  	s10 =	simm.s32 @!p1 $0x380;
	s17 =	simm.s32 @!p1 $0x80;
	s12 =	rddreg [dreg:$0x3]  }
0x143: {  	[spmem:s12] =	stream.indirect.scatter.add.f32 @!p1 [tilespmem:s9], [sflag:$0x8], $0x1, s10, s17, $0xb8;
	[tilespmem:$0x1CE80] =	vst v63  }
0x144: {  	s9 =	simm.s32 @!p1 $0x8  }
0x145: {  	_ =	swait.ge @!p1 [sflag:s9], $0x80  }
0x146: {  	[sflag:s9] =	ssyncset.done @!p1 $0x0  }
0x147: {  	[sflag:s9] =	ssyncadd.s32 @!p1 $0xFFFFFF80  }
0x148: {  	_ =	swait.ge [sflag:s13], $0x4000  }
0x149: {  	[sflag:s13] =	ssyncset.done $0x0  }
0x14a: {  	s10 =	simm.s32 $0x800;
	s12 =	simm.s32 $0x4;
	[sflag:s13] =	ssyncadd.s32 $0xFFFFC000  }
0x14b: {  	[spmem:s25] =	stream.indirect.scatter.add.f32 [tilespmem:s1], [sflag:$0x3], $0x80, s10, s8, $0xb8;
	[tilespmem:$0x1CE80] =	vst v63  }
0x14c: {  	p3 =	seq.s32 s14, $0x480;
	_ =	swait.ge [sflag:s12], $0x4000  }
0x14d: {  	s9 =	simm.s32 @!p3 $0x0;
	s10 =	rddreg [dreg:$0x5];
	[sflag:s12] =	ssyncset.done $0x0  }
0x14e: {  	[sflag:s12] =	ssyncadd.s32 $0xFFFFC000;
	s12 =	sadd.s32 @!p3 s14, s18;
	s10 =	sadd.s32 @!p3 s14, s10  }
0x14f: {  	[tilespmem:s9], [sflag:$0x5] =	stream.linear.gather @!p3 [hbm4b:s10+s9], $0x200, $0x38;
	[tilespmem:$0x1CE80] =	vst v63  }
0x150: {  	s17 =	simm.s32 @!p3 $0x200;
	s12 =	sadd.s32 @!p3 $0x80, s12;
	s10 =	sadd.s32 @!p3 s14, s4  }
0x151: {  	[tilespmem:s17], [sflag:$0x5] =	stream.linear.gather @!p3 [hbm4b:s12+s9], $0x200, $0x38;
	[tilespmem:$0x1CE80] =	vst v63  }
0x152: {  	s14 =	simm.s32 @!p3 $0x400;
	s10 =	sadd.s32 @!p3 $0x80, s10  }
0x153: {  	[tilespmem:s14], [sflag:$0x5] =	stream.linear.gather @!p3 [hbm4b:s10+s9], $0x200, $0x38;
	[tilespmem:$0x1CE80] =	vst v63  }
0x154: {  	s13 =	rddreg [dreg:$0x8]  }
0x155: {  	[tilespmem:s29], [sflag:$0x2] =	stream.indirect.gather [hbm4b:s2+s8], $0x80, s13, s8, $0xb8;
	[tilespmem:$0x1CE80] =	vst v63  }
0x156: {  	_ =	swait.ge @p0 [sflag:s16], $0x4000  }
0x157: {  	[sflag:s16] =	ssyncset.done @p0 $0x0  }
0x158: {  	s10 =	simm.s32 @p0 $0x4C00;
	s8 =	simm.s32 @p0 $0x880;
	[sflag:s16] =	ssyncadd.s32 @p0 $0xFFFFC000  }
0x159: {  	[spmem:s25] =	stream.indirect.scatter.add.f32 @p0 [tilespmem:s10], [sflag:$0x4], $0x80, s8, s31, $0xb8;
	[tilespmem:$0x1CE80] =	vst v63  }
0x15a: {  	_ =	swait.ge @p0 [sflag:s7], $0x4000  }
0x15b: {  	[sflag:s7] =	ssyncset.done @p0 $0x0  }
0x15c: {  	s1 =	simm.s32 @p0 $0x700;
	[sflag:s7] =	ssyncadd.s32 @p0 $0xFFFFC000  }
0x15d: {  	[tilespmem:s19], [sflag:$0x1] =	stream.indirect.gather @p0 [hbm4b:s2+s31], $0x80, s1, s31, $0xb8;
	[tilespmem:$0x1CE80] =	vst v63  }
0x15e: {  	s7 =	simm.s32 @p0 $0xA80;
	s1 =	rddreg [dreg:$0x3]  }
0x15f: {  	[spmem:s1] =	stream.indirect.scatter.add.f32 @p0 [tilespmem:s7], [sflag:$0x8], $0x1, s8, s31, $0xb8;
	[tilespmem:$0x1CE80] =	vst v63  }
0x160: {  	_ =	swait.ge @p0 [sflag:s28], $0x80  }
0x161: {  	[sflag:s28] =	ssyncset.done @p0 $0x0  }
0x162: {  	[sflag:s28] =	ssyncadd.s32 @p0 $0xFFFFFF80  }
0x163: {  	_ =	swait.ge @p0 [sflag:s15], $0x4000  }
0x164: {  	[sflag:s15] =	ssyncset.done @p0 $0x0  }
0x165: {  	s1 =	simm.s32 @p0 $0x900;
	[sflag:s15] =	ssyncadd.s32 @p0 $0xFFFFC000  }
0x166: {  	[spmem:s25] =	stream.indirect.scatter.add.f32 @p0 [tilespmem:s19], [sflag:$0x3], $0x80, s1, s31, $0xb8;
	[tilespmem:$0x1CE80] =	vst v63  }
0x167: {  	_ =	swait.ge @p0 [sflag:s3], $0x4000  }
0x168: {  	[sflag:s3] =	ssyncset.done @p0 $0x0  }
0x169: {  	s1 =	simm.s32 @p0 $0x780;
	[sflag:s3] =	ssyncadd.s32 @p0 $0xFFFFC000  }
0x16a: {  	[tilespmem:s10], [sflag:$0x2] =	stream.indirect.gather @p0 [hbm4b:s2+s31], $0x80, s1, s31, $0xb8;
	[tilespmem:$0x1CE80] =	vst v63  }
0x16b: {  	s7 =	simm.s32 @!p0 $0xA00;
	s3 =	rddreg [dreg:$0x3];
	s1 =	simm.s32 @!p0 $0x800  }
0x16c: {  	[spmem:s3] =	stream.indirect.scatter.add.f32 @!p0 [tilespmem:s7], [sflag:$0x8], $0x1, s1, s22, $0xb8;
	[tilespmem:$0x1CE80] =	vst v63  }
0x16d: {  	_ =	swait.ge @!p0 [sflag:s30], $0x80  }
0x16e: {  	[sflag:s30] =	ssyncset.done @!p0 $0x0  }
0x16f: {  	[sflag:s30] =	ssyncadd.s32 @!p0 $0xFFFFFF80  }
0x170: {  	_ =	swait.ge @!p0 [sflag:s5], $0x4000  }
0x171: {  	[sflag:s5] =	ssyncset.done @!p0 $0x0  }
0x172: {  	s1 =	simm.s32 @!p0 $0x880;
	[sflag:s5] =	ssyncadd.s32 @!p0 $0xFFFFC000  }
0x173: {  	[spmem:s25] =	stream.indirect.scatter.add.f32 @!p0 [tilespmem:s20], [sflag:$0x4], $0x80, s1, s22, $0xb8;
	[tilespmem:$0x1CE80] =	vst v63  }
0x174: {  	_ =	swait.ge @!p0 [sflag:s26], $0x4000  }
0x175: {  	[sflag:s26] =	ssyncset.done @!p0 $0x0  }
0x176: {  	s1 =	simm.s32 @!p0 $0x700;
	[sflag:s26] =	ssyncadd.s32 @!p0 $0xFFFFC000  }
0x177: {  	[tilespmem:s0], [sflag:$0x1] =	stream.indirect.gather @!p0 [hbm4b:s2+s22], $0x80, s1, s22, $0xb8;
	[tilespmem:$0x1CE80] =	vst v63  }
0x178: {  	_ =	swait.ge @!p0 [sflag:s11], $0x4000  }
0x179: {  	[sflag:s11] =	ssyncset.done @!p0 $0x0  }
0x17a: {  	s1 =	simm.s32 @!p0 $0x900;
	[sflag:s11] =	ssyncadd.s32 @!p0 $0xFFFFC000  }
0x17b: {  	[spmem:s25] =	stream.indirect.scatter.add.f32 @!p0 [tilespmem:s0], [sflag:$0x3], $0x80, s1, s22, $0xb8;
	[tilespmem:$0x1CE80] =	vst v63  }
0x17c: {  	_ =	swait.ge @!p0 [sflag:s21], $0x4000  }
0x17d: {  	[sflag:s21] =	ssyncset.done @!p0 $0x0  }
0x17e: {  	s0 =	simm.s32 @!p0 $0x780;
	[sflag:s21] =	ssyncadd.s32 @!p0 $0xFFFFC000  }
0x17f: {  	[tilespmem:s20], [sflag:$0x2] =	stream.indirect.gather @!p0 [hbm4b:s2+s22], $0x80, s0, s22, $0xb8;
	[tilespmem:$0x1CE80] =	vst v63  }
0x180: {  	s0 =	simm.s32 @!p0 $0xB00  }
0x181: {  	[spmem:s3] =	stream.indirect.scatter.add.f32 @!p0 [tilespmem:s0], [sflag:$0x8], $0x1, s1, s22, $0xb8;
	[tilespmem:$0x1CE80] =	vst v63  }
0x182: {  	_ =	swait.ge @!p0 [sflag:s30], $0x80  }
0x183: {  	[sflag:s30] =	ssyncset.done @!p0 $0x0  }
0x184: {  	[sflag:s30] =	ssyncadd.s32 @!p0 $0xFFFFFF80  }
0x185: {  	_ =	swait.ge [sflag:s6], $0x4000  }
0x186: {  	s29 =	simm.s32 $0x4C00;
	[sflag:s6] =	ssyncset.done $0x0  }
0x187: {  	s16 =	simm.s32 $0x80;
	s31 =	rddreg [dreg:$0x9];
	[sflag:s6] =	ssyncadd.s32 $0xFFFFC000  }
0x188: {  	[spmem:s25] =	stream.indirect.scatter.add.f32 [tilespmem:s29], [sflag:$0x4], $0x80, s31, s16, $0xb8;
	[tilespmem:$0x1CE80] =	vst v63  }
0x189: {  	_ =	swait.ge [sflag:s23], $0x4000  }
0x18a: {  	[sflag:s23] =	ssyncset.done $0x0  }
0x18b: {  	s10 =	simm.s32 @!p3 $0x5;
	[sflag:s23] =	ssyncadd.s32 $0xFFFFC000  }
0x18c: {  	_ =	swait.ge @!p3 [sflag:s10], $0x200  }
0x18d: {  	[sflag:s10] =	ssyncset.done @!p3 $0x0  }
0x18e: {  	[sflag:s10] =	ssyncadd.s32 @!p3 $0xFFFFFE00  }
0x18f: {  	_ =	swait.ge @!p3 [sflag:s10], $0x200  }
0x190: {  	[sflag:s10] =	ssyncset.done @!p3 $0x0  }
0x191: {  	[sflag:s10] =	ssyncadd.s32 @!p3 $0xFFFFFE00  }
0x192: {  	s24 =	sadd.s32 $0x80, s24;
	_ =	swait.ge @!p3 [sflag:s10], $0x200  }
0x193: {  	p2 =	sne.s32 s24, $0x500;
	[sflag:s10] =	ssyncset.done @!p3 $0x0  }
0x194: {  	s12 =	simm.s32 @!p3 $0x80;
	s14 =	simm.s32 @!p3 $0xC00;
	[sflag:s10] =	ssyncadd.s32 @!p3 $0xFFFFFE00  }
0x195: {  	[tilespmem:s14], [sflag:$0x1] =	stream.indirect.gather @!p3 [hbm4b:s2+s12], $0x80, s9, s12, $0xb8;
	[tilespmem:$0x1CE80] =	vst v63  }
.Ltmp0:
0x196: {  	_ = 	snop;
	(pc) =	sbr.rel @p2 .LBB2_2-.Ltmp0, $4  }
0x197: {  	s4 =	simm.s32 @!p1 $0x80;
	s0 =	simm.s32 @!p1 $0x980;
	s1 =	simm.s32 @!p1 $0xB80  }
0x198: {  	[spmem:s3] =	stream.indirect.scatter.add.f32 @!p1 [tilespmem:s1], [sflag:$0x7], $0x1, s0, s4, $0xb8;
	[tilespmem:$0x1CE80] =	vst v63  }
0x199: {  	s21 =	smov.u32 s25;
	s0 =	simm.s32 @!p1 $0x7  }
0x19a: {  	s20 =	smov.u32 s2;
	s10 =	simm.s32 $0x200;
	_ =	swait.ge @!p1 [sflag:s0], $0x80  }
0x19b: {  	s0 =	simm.s32 @!p1 $0x7  }
0x19c: {  	[sflag:s0] =	ssyncset.done @!p1 $0x0  }
0x19d: {  	s5 =	simm.s32 $0x4;
	[sflag:s0] =	ssyncadd.s32 @!p1 $0xFFFFFF80  }
0x19e: {  	_ =	swait.ge [sflag:s5], $0x4000  }
0x19f: {  	[sflag:s5] =	ssyncset.done $0x0  }
0x1a0: {  	[sflag:s5] =	ssyncadd.s32 $0xFFFFC000  }
0x1a1: {  	[bflag:$0x0] =	sbarrier.arrive $0xFFFF  }
0x1a2: {  	s9 =	rddreg [dreg:$0x13]  }
0x1a3: {  	s26 =	rddreg [dreg:$0x15]  }
0x1a4: {  	s8 =	simm.s32 $0x7;
	s6 =	rddreg [dreg:$0x19]  }
0x1a5: {  	[hbm:s26], [sflag:s9] =	dma.local [spmem:s6], $0x2800  }
0x1a6: {  	_ =	swait.ge [sflag:s8], $0x2800  }
0x1a7: {  	[sflag:s8] =	ssyncset.done $0x0;
	s28 =	rddreg [dreg:$0x16]  }
0x1a8: {  	s29 =	rddreg [dreg:$0x1a];
	[sflag:s8] =	ssyncadd.s32 $0xFFFFD800  }
0x1a9: {  	[hbm:s28], [sflag:s9] =	dma.local [spmem:s29], $0x50  }
0x1aa: {  	_ =	swait.ge [sflag:s8], $0x50  }
0x1ab: {  	s30 =	rddreg [dreg:$0x18]  }
0x1ac: {  	s31 =	rddreg [dreg:$0x17];
	s6 =	sadd.s32 $0x1, s30  }
0x1ad: {  	p2 =	sne.s32 s6, s31  }
.Ltmp1:
0x1ae: {  	_ = 	snop;
	(pc) =	sbr.rel @p2 .LBB2_1-.Ltmp1, $4  }
0x1af: {  	s12 =	simm.s32 $0x800  }
0x1b0: {  	s14 =	simm.s32 $0xC00;
	s13 =	simm.s32 $0x4C00;
	s22 =	simm.s32 $0x2  }
0x1b1: {  	s11 =	simm.s32 $0x3;
	s4 =	simm.s32 $0x6;
	[sflag:s8] =	ssyncset.done $0x0  }
0x1b2: {  	s0 =	simm.s32 $0x1;
	s18 =	rddreg [dreg:$0xa];
	[sflag:s8] =	ssyncadd.s32 $0xFFFFFFB0  }
0x1b3: {  	_ =	sfence.sel $0x180000  }
0x1b4: {  	[bflag:$0x0] =	sbarrier.arrive $0xFFFF  }
0x1b5: {  	_ =	strace $0x90000047  }
0x1b6: {  	s0 =	stileid.u32;
	[bflag:$0x2] =	sbarrier.arrive $0xFFFF  }
0x1b7: {  	p0 =	sne.s32 s0, $0x0;
	s0 =	rddreg [dreg:$0x4]  }
0x1b8: {  	s0 =	sadd.s32 @!p0 $0x100000, s0  }
0x1b9: {  	[sflag:s0] =	ssyncadd.tile.s32 @!p0 $0x1;
	_ =	shalt  }
.Lfunc_end2:
_tile_overlayer_lowered:
.L_overlay_start_2:
0x1ba: {  	(tag) =	ssettag $0x2  }
0x1bb: {  	s0 =	rddreg [dreg:$0x0];
	s2 =	stileid.u32  }
0x1bc: {  	s1 =	rddreg [dreg:$0x1];
	p0 =	sne.s32 s2, $0x0  }
0x1bd: {  	s3 =	rddreg [dreg:$0x2];
	[bflag:$0x3] =	sbarrier.arrive $0xFFFF;
	s2 =	simm.s32 @!p0 $0x1C07  }
0x1be: {  	[timem:s3], [sflag:s2] =	dma.local @!p0 [hbm:s0], s1  }
0x1bf: {  	s0 =	simm.s32 @!p0 $0x7  }
0x1c0: {  	_ =	swait.ge @!p0 [sflag:s0], s1  }
0x1c1: {  	s1 =	ssub.s32 @!p0 $0x0, s1;
	[sflag:s0] =	ssyncset.done @!p0 $0x0  }
0x1c2: {  	[sflag:s0] =	ssyncadd.s32 @!p0 s1  }
0x1c3: {  	[bflag:$0x3] =	sbarrier.arrive $0xFFFF  }
0x1c4: {  	_ =	shalt  }

</sc_bundles>
